<compile_context>
chip_gen: v7x
topology: tpu7x:2x2x1
jax: 0.10.2.dev20260603
libtpu: 0.0.44.dev20260713+nightly
codegen_flags: <defaults>
</compile_context>

<pallas_src>
import functools

import jax
import jax.numpy as jnp
from jax import lax
from jax.experimental import pallas as pl
from jax.experimental.pallas import tpu as pltpu
from jax.experimental.pallas import tpu_sc as plsc

_B = 2
_C = 192
_H = 224
_W = 224
_NIMG = _B * _C

_NC = 2
_NS = 16
_NW = _NC * _NS
_IPW = _NIMG // _NW


def _body(x_hbm, s_hbm, out_hbm, buf0, buf1, sem_l0, sem_l1, sem_s0, sem_s1):
    bufs = (buf0, buf1)
    sems_l = (sem_l0, sem_l1)
    sems_s = (sem_s0, sem_s1)
    wid = lax.axis_index("s") * _NC + lax.axis_index("c")
    base = wid * _IPW

    def coords(k):
        r = base + k
        b = jnp.where(r >= _C, 1, 0)
        c = r - b * _C
        return b, c

    def start_load(k):
        b, c = coords(k)
        is_x = c == 0

        @pl.when(is_x)
        def _():
            pltpu.make_async_copy(
                x_hbm.at[b, 0], bufs[k % 2], sems_l[k % 2]).start()

        @pl.when(jnp.logical_not(is_x))
        def _():
            pltpu.make_async_copy(
                s_hbm.at[b, c], bufs[k % 2], sems_l[k % 2]).start()

    def wait_load(k):
        pltpu.make_async_copy(
            s_hbm.at[0, 0], bufs[k % 2], sems_l[k % 2]).wait()

    stores = {}

    def start_store(k):
        b, c = coords(k)
        h = pltpu.make_async_copy(
            bufs[k % 2], out_hbm.at[b, c], sems_s[k % 2])
        h.start()
        stores[k] = h

    start_load(0)
    for k in range(_IPW):
        if k + 1 < _IPW:
            if k - 1 >= 0:
                stores[k - 1].wait()
            start_load(k + 1)
        wait_load(k)
        start_store(k)
    stores[_IPW - 2].wait()
    stores[_IPW - 1].wait()


def _tc_convert_body(s_ref, o_ref):
    o_ref[...] = jnp.transpose(s_ref[...], (0, 3, 1, 2))


def _tc_convert(s_t):
    return pl.pallas_call(
        _tc_convert_body,
        grid=(_B, _H // 56, 2),
        in_specs=[pl.BlockSpec(
            (1, 56, _W, 128), lambda b, ht, ct: (b, ht, 0, ct))],
        out_specs=pl.BlockSpec(
            (1, 128, 56, _W), lambda b, ht, ct: (b, ct, ht, 0)),
        out_shape=jax.ShapeDtypeStruct((_B, _C, _H, _W), jnp.float32),
        compiler_params=pltpu.CompilerParams(
            dimension_semantics=("parallel", "parallel", "parallel")),
    )(s_t)


def kernel(x, shortcut_input):
    s_t = shortcut_input.transpose(0, 2, 3, 1)
    s_c = _tc_convert(s_t)
    mesh = plsc.VectorSubcoreMesh(
        core_axis_name="c", subcore_axis_name="s",
        num_cores=_NC, num_subcores=_NS)
    run = functools.partial(
        pl.kernel,
        mesh=mesh,
        out_type=jax.ShapeDtypeStruct((_B, _C, _H, _W), jnp.float32),
        scratch_types=[
            pltpu.VMEM((_H, _W), jnp.float32),
            pltpu.VMEM((_H, _W), jnp.float32),
            pltpu.SemaphoreType.DMA,
            pltpu.SemaphoreType.DMA,
            pltpu.SemaphoreType.DMA,
            pltpu.SemaphoreType.DMA,
        ],
        compiler_params=pltpu.CompilerParams(use_tc_tiling_on_sc=True),
    )(_body)
    return run(x, s_c)

# --- scband reference (transcript-rebuilt; emitter-appended) ---
"""Pipeline reference for scband-shortcut-adder-25486335935110 (READ-ONLY COPY).

The authoritative reference and input builder live on the scoring server;
editing this copy changes nothing except your own understanding.
"""

import jax, jax.numpy as jnp
import numpy as np

CHANNELS = 191  # init kwarg: channels

def setup_inputs(seed: int = 0) -> dict:
    key = jax.random.key(seed)
    k1, k2 = jax.random.split(key)
    x = jax.random.normal(k1, (2, 192, 224, 224), dtype=jnp.float32)
    shortcut_input = jax.random.normal(k2, (2, 384, 224, 224), dtype=jnp.float32)
    return {"x": x, "shortcut_input": shortcut_input}

def reference(x, shortcut_input):
    # torch: self.in_channels = self.out_channels = linspace(1, channels, channels).long() == [1..channels]
    in_channels = jnp.arange(1, CHANNELS + 1)
    out_channels = jnp.arange(1, CHANNELS + 1)
    # x.size() != shortcut_input.size(), no zero-sized dims in either tensor,
    # so the module takes the final branch:
    #   x[:, out_channels, :, :] = shortcut_input[:, in_channels, :, :]; return x
    gathered = shortcut_input[:, in_channels, :, :]
    out = x.at[:, out_channels, :, :].set(gathered)
    return out

if __name__ == "__main__":
    import jax
    _d = setup_inputs()
    print(jax.jit(kernel)(*tuple(_d.values())))

</pallas_src>

<mosaic_0001>
#map = affine_map<(d0, d1) -> (0, 0, 0, 0)>
module attributes {stable_mosaic.version = 14 : i64} {
  func.func @_body(%arg0: i32, %arg1: i32, %arg2: memref<2x192x224x224xf32, #tpu.memory_space<hbm>>, %arg3: memref<2x192x224x224xf32, #tpu.memory_space<hbm>>, %arg4: memref<2x192x224x224xf32, #tpu.memory_space<hbm>>, %arg5: memref<224x224xf32, #tpu.memory_space<vmem>>, %arg6: memref<224x224xf32, #tpu.memory_space<vmem>>, %arg7: memref<!tpu.dma_semaphore, #tpu.memory_space<semaphore_mem>>, %arg8: memref<!tpu.dma_semaphore, #tpu.memory_space<semaphore_mem>>, %arg9: memref<!tpu.dma_semaphore, #tpu.memory_space<semaphore_mem>>, %arg10: memref<!tpu.dma_semaphore, #tpu.memory_space<semaphore_mem>>) attributes {dimension_semantics = [#tpu.dimension_semantics<core_parallel>, #tpu.dimension_semantics<subcore_parallel>], iteration_bounds = array<i64: 2, 16>, scalar_prefetch = 0 : i64, scratch_operands = 6 : i64, tpu.core_type = #tpu.core_type<sc_vector_subcore>, window_params = [{transform_indices = #map}, {transform_indices = #map}, {transform_indices = #map}]} {
    %mul3A = arith.constant 2 : i32
    %mul3A_0 = arith.muli %arg1, %mul3A : i32
    %add3A = arith.addi %mul3A_0, %arg0 : i32
    %mul3A_1 = arith.constant 12 : i32
    %mul3A_2 = arith.muli %add3A, %mul3A_1 : i32
    %add3A_3 = arith.constant 0 : i32
    %add3A_4 = arith.addi %mul3A_2, %add3A_3 : i32
    %ge3A = arith.constant 192 : i32
    %ge3A_5 = arith.cmpi sge, %add3A_4, %ge3A : i32
    %jit3A = arith.constant 1 : i32
    %jit3A_6 = arith.constant 0 : i32
    %select_n3A = arith.select %ge3A_5, %jit3A, %jit3A_6 : i32
    %mul3A_7 = arith.constant 192 : i32
    %mul3A_8 = arith.muli %select_n3A, %mul3A_7 : i32
    %sub3A = arith.subi %add3A_4, %mul3A_8 : i32
    %eq3A = arith.constant 0 : i32
    %eq3A_9 = arith.cmpi eq, %sub3A, %eq3A : i32
    %convert_element_type3A = arith.extui %eq3A_9 : i1 to i32
    %cond3A = arith.constant 0 : i32
    %cond3A_10 = arith.cmpi ne, %convert_element_type3A, %cond3A : i32
    scf.if %cond3A_10 {
      %dma_start3A_665 = arith.constant 0 : i32
      %dma_start3A_666 = arith.constant 0 : i32
      %dma_start3A_667 = arith.constant 0 : i32
      %dma_start3A_668 = tpu.memref_slice %arg2[%select_n3A, %dma_start3A_665, %dma_start3A_666, %dma_start3A_667] : memref<2x192x224x224xf32, #tpu.memory_space<hbm>> -> memref<1x1x224x224xf32, #tpu.memory_space<hbm>>
      %dma_start3A_669 = tpu.memref_squeeze %dma_start3A_668 : memref<1x1x224x224xf32, #tpu.memory_space<hbm>> -> memref<224x224xf32, #tpu.memory_space<hbm>>
      %dma_start3A_670 = arith.constant 0 : i32
      %dma_start3A_671 = arith.constant 0 : i32
      %dma_start3A_672 = tpu.memref_slice %arg2[%select_n3A, %dma_start3A_665, %dma_start3A_670, %dma_start3A_671] : memref<2x192x224x224xf32, #tpu.memory_space<hbm>> -> memref<1x1x224x224xf32, #tpu.memory_space<hbm>>
      %dma_start3A_673 = tpu.memref_squeeze %dma_start3A_672 : memref<1x1x224x224xf32, #tpu.memory_space<hbm>> -> memref<224x224xf32, #tpu.memory_space<hbm>>
      tpu.enqueue_dma source(%dma_start3A_673 : memref<224x224xf32, #tpu.memory_space<hbm>>) target(%arg5 : memref<224x224xf32, #tpu.memory_space<vmem>>) target_semaphore(%arg7 : memref<!tpu.dma_semaphore, #tpu.memory_space<semaphore_mem>>)
    } else {
    }
    %not3A = arith.constant true
    %not3A_11 = arith.xori %eq3A_9, %not3A : i1
    %convert_element_type3A_12 = arith.extui %not3A_11 : i1 to i32
    %cond3A_13 = arith.constant 0 : i32
    %cond3A_14 = arith.cmpi ne, %convert_element_type3A_12, %cond3A_13 : i32
    scf.if %cond3A_14 {
      %dma_start3A_665 = arith.constant 0 : i32
      %dma_start3A_666 = arith.constant 0 : i32
      %dma_start3A_667 = tpu.memref_slice %arg3[%select_n3A, %sub3A, %dma_start3A_665, %dma_start3A_666] : memref<2x192x224x224xf32, #tpu.memory_space<hbm>> -> memref<1x1x224x224xf32, #tpu.memory_space<hbm>>
      %dma_start3A_668 = tpu.memref_squeeze %dma_start3A_667 : memref<1x1x224x224xf32, #tpu.memory_space<hbm>> -> memref<224x224xf32, #tpu.memory_space<hbm>>
      %dma_start3A_669 = arith.constant 0 : i32
      %dma_start3A_670 = arith.constant 0 : i32
      %dma_start3A_671 = tpu.memref_slice %arg3[%select_n3A, %sub3A, %dma_start3A_669, %dma_start3A_670] : memref<2x192x224x224xf32, #tpu.memory_space<hbm>> -> memref<1x1x224x224xf32, #tpu.memory_space<hbm>>
      %dma_start3A_672 = tpu.memref_squeeze %dma_start3A_671 : memref<1x1x224x224xf32, #tpu.memory_space<hbm>> -> memref<224x224xf32, #tpu.memory_space<hbm>>
      tpu.enqueue_dma source(%dma_start3A_672 : memref<224x224xf32, #tpu.memory_space<hbm>>) target(%arg5 : memref<224x224xf32, #tpu.memory_space<vmem>>) target_semaphore(%arg7 : memref<!tpu.dma_semaphore, #tpu.memory_space<semaphore_mem>>)
    } else {
    }
    %add3A_15 = arith.constant 1 : i32
    %add3A_16 = arith.addi %mul3A_2, %add3A_15 : i32
    %ge3A_17 = arith.constant 192 : i32
    %ge3A_18 = arith.cmpi sge, %add3A_16, %ge3A_17 : i32
    %jit3A_19 = arith.constant 1 : i32
    %jit3A_20 = arith.constant 0 : i32
    %select_n3A_21 = arith.select %ge3A_18, %jit3A_19, %jit3A_20 : i32
    %mul3A_22 = arith.constant 192 : i32
    %mul3A_23 = arith.muli %select_n3A_21, %mul3A_22 : i32
    %sub3A_24 = arith.subi %add3A_16, %mul3A_23 : i32
    %eq3A_25 = arith.constant 0 : i32
    %eq3A_26 = arith.cmpi eq, %sub3A_24, %eq3A_25 : i32
    %convert_element_type3A_27 = arith.extui %eq3A_26 : i1 to i32
    %cond3A_28 = arith.constant 0 : i32
    %cond3A_29 = arith.cmpi ne, %convert_element_type3A_27, %cond3A_28 : i32
    scf.if %cond3A_29 {
      %dma_start3A_665 = arith.constant 0 : i32
      %dma_start3A_666 = arith.constant 0 : i32
      %dma_start3A_667 = arith.constant 0 : i32
      %dma_start3A_668 = tpu.memref_slice %arg2[%select_n3A_21, %dma_start3A_665, %dma_start3A_666, %dma_start3A_667] : memref<2x192x224x224xf32, #tpu.memory_space<hbm>> -> memref<1x1x224x224xf32, #tpu.memory_space<hbm>>
      %dma_start3A_669 = tpu.memref_squeeze %dma_start3A_668 : memref<1x1x224x224xf32, #tpu.memory_space<hbm>> -> memref<224x224xf32, #tpu.memory_space<hbm>>
      %dma_start3A_670 = arith.constant 0 : i32
      %dma_start3A_671 = arith.constant 0 : i32
      %dma_start3A_672 = tpu.memref_slice %arg2[%select_n3A_21, %dma_start3A_665, %dma_start3A_670, %dma_start3A_671] : memref<2x192x224x224xf32, #tpu.memory_space<hbm>> -> memref<1x1x224x224xf32, #tpu.memory_space<hbm>>
      %dma_start3A_673 = tpu.memref_squeeze %dma_start3A_672 : memref<1x1x224x224xf32, #tpu.memory_space<hbm>> -> memref<224x224xf32, #tpu.memory_space<hbm>>
      tpu.enqueue_dma source(%dma_start3A_673 : memref<224x224xf32, #tpu.memory_space<hbm>>) target(%arg6 : memref<224x224xf32, #tpu.memory_space<vmem>>) target_semaphore(%arg8 : memref<!tpu.dma_semaphore, #tpu.memory_space<semaphore_mem>>)
    } else {
    }
    %not3A_30 = arith.constant true
    %not3A_31 = arith.xori %eq3A_26, %not3A_30 : i1
    %convert_element_type3A_32 = arith.extui %not3A_31 : i1 to i32
    %cond3A_33 = arith.constant 0 : i32
    %cond3A_34 = arith.cmpi ne, %convert_element_type3A_32, %cond3A_33 : i32
    scf.if %cond3A_34 {
      %dma_start3A_665 = arith.constant 0 : i32
      %dma_start3A_666 = arith.constant 0 : i32
      %dma_start3A_667 = tpu.memref_slice %arg3[%select_n3A_21, %sub3A_24, %dma_start3A_665, %dma_start3A_666] : memref<2x192x224x224xf32, #tpu.memory_space<hbm>> -> memref<1x1x224x224xf32, #tpu.memory_space<hbm>>
      %dma_start3A_668 = tpu.memref_squeeze %dma_start3A_667 : memref<1x1x224x224xf32, #tpu.memory_space<hbm>> -> memref<224x224xf32, #tpu.memory_space<hbm>>
      %dma_start3A_669 = arith.constant 0 : i32
      %dma_start3A_670 = arith.constant 0 : i32
      %dma_start3A_671 = tpu.memref_slice %arg3[%select_n3A_21, %sub3A_24, %dma_start3A_669, %dma_start3A_670] : memref<2x192x224x224xf32, #tpu.memory_space<hbm>> -> memref<1x1x224x224xf32, #tpu.memory_space<hbm>>
      %dma_start3A_672 = tpu.memref_squeeze %dma_start3A_671 : memref<1x1x224x224xf32, #tpu.memory_space<hbm>> -> memref<224x224xf32, #tpu.memory_space<hbm>>
      tpu.enqueue_dma source(%dma_start3A_672 : memref<224x224xf32, #tpu.memory_space<hbm>>) target(%arg6 : memref<224x224xf32, #tpu.memory_space<vmem>>) target_semaphore(%arg8 : memref<!tpu.dma_semaphore, #tpu.memory_space<semaphore_mem>>)
    } else {
    }
    %dma_wait3A = arith.constant 0 : i32
    %dma_wait3A_35 = arith.constant 0 : i32
    %dma_wait3A_36 = arith.constant 0 : i32
    %dma_wait3A_37 = arith.constant 0 : i32
    %dma_wait3A_38 = tpu.memref_slice %arg3[%dma_wait3A, %dma_wait3A_35, %dma_wait3A_36, %dma_wait3A_37] : memref<2x192x224x224xf32, #tpu.memory_space<hbm>> -> memref<1x1x224x224xf32, #tpu.memory_space<hbm>>
    %dma_wait3A_39 = tpu.memref_squeeze %dma_wait3A_38 : memref<1x1x224x224xf32, #tpu.memory_space<hbm>> -> memref<224x224xf32, #tpu.memory_space<hbm>>
    %dma_wait3A_40 = arith.constant 0 : i32
    %dma_wait3A_41 = arith.constant 0 : i32
    %dma_wait3A_42 = tpu.memref_slice %arg3[%dma_wait3A, %dma_wait3A_35, %dma_wait3A_40, %dma_wait3A_41] : memref<2x192x224x224xf32, #tpu.memory_space<hbm>> -> memref<1x1x224x224xf32, #tpu.memory_space<hbm>>
    %dma_wait3A_43 = tpu.memref_squeeze %dma_wait3A_42 : memref<1x1x224x224xf32, #tpu.memory_space<hbm>> -> memref<224x224xf32, #tpu.memory_space<hbm>>
    tpu.wait_dma2 semaphore(%arg7 : memref<!tpu.dma_semaphore, #tpu.memory_space<semaphore_mem>>) src(%dma_wait3A_43 : memref<224x224xf32, #tpu.memory_space<hbm>>) dst(%arg5 : memref<224x224xf32, #tpu.memory_space<vmem>>)
    %add3A_44 = arith.constant 0 : i32
    %add3A_45 = arith.addi %mul3A_2, %add3A_44 : i32
    %ge3A_46 = arith.constant 192 : i32
    %ge3A_47 = arith.cmpi sge, %add3A_45, %ge3A_46 : i32
    %jit3A_48 = arith.constant 1 : i32
    %jit3A_49 = arith.constant 0 : i32
    %select_n3A_50 = arith.select %ge3A_47, %jit3A_48, %jit3A_49 : i32
    %mul3A_51 = arith.constant 192 : i32
    %mul3A_52 = arith.muli %select_n3A_50, %mul3A_51 : i32
    %sub3A_53 = arith.subi %add3A_45, %mul3A_52 : i32
    %dma_start3A = arith.constant 0 : i32
    %dma_start3A_54 = arith.constant 0 : i32
    %dma_start3A_55 = tpu.memref_slice %arg4[%select_n3A_50, %sub3A_53, %dma_start3A, %dma_start3A_54] : memref<2x192x224x224xf32, #tpu.memory_space<hbm>> -> memref<1x1x224x224xf32, #tpu.memory_space<hbm>>
    %dma_start3A_56 = tpu.memref_squeeze %dma_start3A_55 : memref<1x1x224x224xf32, #tpu.memory_space<hbm>> -> memref<224x224xf32, #tpu.memory_space<hbm>>
    %dma_start3A_57 = arith.constant 0 : i32
    %dma_start3A_58 = arith.constant 0 : i32
    %dma_start3A_59 = tpu.memref_slice %arg4[%select_n3A_50, %sub3A_53, %dma_start3A_57, %dma_start3A_58] : memref<2x192x224x224xf32, #tpu.memory_space<hbm>> -> memref<1x1x224x224xf32, #tpu.memory_space<hbm>>
    %dma_start3A_60 = tpu.memref_squeeze %dma_start3A_59 : memref<1x1x224x224xf32, #tpu.memory_space<hbm>> -> memref<224x224xf32, #tpu.memory_space<hbm>>
    tpu.enqueue_dma source(%arg5 : memref<224x224xf32, #tpu.memory_space<vmem>>) target(%dma_start3A_60 : memref<224x224xf32, #tpu.memory_space<hbm>>) target_semaphore(%arg9 : memref<!tpu.dma_semaphore, #tpu.memory_space<semaphore_mem>>)
    %dma_wait3A_61 = arith.constant 0 : i32
    %dma_wait3A_62 = arith.constant 0 : i32
    %dma_wait3A_63 = tpu.memref_slice %arg4[%select_n3A_50, %sub3A_53, %dma_wait3A_61, %dma_wait3A_62] : memref<2x192x224x224xf32, #tpu.memory_space<hbm>> -> memref<1x1x224x224xf32, #tpu.memory_space<hbm>>
    %dma_wait3A_64 = tpu.memref_squeeze %dma_wait3A_63 : memref<1x1x224x224xf32, #tpu.memory_space<hbm>> -> memref<224x224xf32, #tpu.memory_space<hbm>>
    %dma_wait3A_65 = arith.constant 0 : i32
    %dma_wait3A_66 = arith.constant 0 : i32
    %dma_wait3A_67 = tpu.memref_slice %arg4[%select_n3A_50, %sub3A_53, %dma_wait3A_65, %dma_wait3A_66] : memref<2x192x224x224xf32, #tpu.memory_space<hbm>> -> memref<1x1x224x224xf32, #tpu.memory_space<hbm>>
    %dma_wait3A_68 = tpu.memref_squeeze %dma_wait3A_67 : memref<1x1x224x224xf32, #tpu.memory_space<hbm>> -> memref<224x224xf32, #tpu.memory_space<hbm>>
    tpu.wait_dma2 semaphore(%arg9 : memref<!tpu.dma_semaphore, #tpu.memory_space<semaphore_mem>>) src(%arg5 : memref<224x224xf32, #tpu.memory_space<vmem>>) dst(%dma_wait3A_68 : memref<224x224xf32, #tpu.memory_space<hbm>>)
    %add3A_69 = arith.constant 2 : i32
    %add3A_70 = arith.addi %mul3A_2, %add3A_69 : i32
    %ge3A_71 = arith.constant 192 : i32
    %ge3A_72 = arith.cmpi sge, %add3A_70, %ge3A_71 : i32
    %jit3A_73 = arith.constant 1 : i32
    %jit3A_74 = arith.constant 0 : i32
    %select_n3A_75 = arith.select %ge3A_72, %jit3A_73, %jit3A_74 : i32
    %mul3A_76 = arith.constant 192 : i32
    %mul3A_77 = arith.muli %select_n3A_75, %mul3A_76 : i32
    %sub3A_78 = arith.subi %add3A_70, %mul3A_77 : i32
    %eq3A_79 = arith.constant 0 : i32
    %eq3A_80 = arith.cmpi eq, %sub3A_78, %eq3A_79 : i32
    %convert_element_type3A_81 = arith.extui %eq3A_80 : i1 to i32
    %cond3A_82 = arith.constant 0 : i32
    %cond3A_83 = arith.cmpi ne, %convert_element_type3A_81, %cond3A_82 : i32
    scf.if %cond3A_83 {
      %dma_start3A_665 = arith.constant 0 : i32
      %dma_start3A_666 = arith.constant 0 : i32
      %dma_start3A_667 = arith.constant 0 : i32
      %dma_start3A_668 = tpu.memref_slice %arg2[%select_n3A_75, %dma_start3A_665, %dma_start3A_666, %dma_start3A_667] : memref<2x192x224x224xf32, #tpu.memory_space<hbm>> -> memref<1x1x224x224xf32, #tpu.memory_space<hbm>>
      %dma_start3A_669 = tpu.memref_squeeze %dma_start3A_668 : memref<1x1x224x224xf32, #tpu.memory_space<hbm>> -> memref<224x224xf32, #tpu.memory_space<hbm>>
      %dma_start3A_670 = arith.constant 0 : i32
      %dma_start3A_671 = arith.constant 0 : i32
      %dma_start3A_672 = tpu.memref_slice %arg2[%select_n3A_75, %dma_start3A_665, %dma_start3A_670, %dma_start3A_671] : memref<2x192x224x224xf32, #tpu.memory_space<hbm>> -> memref<1x1x224x224xf32, #tpu.memory_space<hbm>>
      %dma_start3A_673 = tpu.memref_squeeze %dma_start3A_672 : memref<1x1x224x224xf32, #tpu.memory_space<hbm>> -> memref<224x224xf32, #tpu.memory_space<hbm>>
      tpu.enqueue_dma source(%dma_start3A_673 : memref<224x224xf32, #tpu.memory_space<hbm>>) target(%arg5 : memref<224x224xf32, #tpu.memory_space<vmem>>) target_semaphore(%arg7 : memref<!tpu.dma_semaphore, #tpu.memory_space<semaphore_mem>>)
    } else {
    }
    %not3A_84 = arith.constant true
    %not3A_85 = arith.xori %eq3A_80, %not3A_84 : i1
    %convert_element_type3A_86 = arith.extui %not3A_85 : i1 to i32
    %cond3A_87 = arith.constant 0 : i32
    %cond3A_88 = arith.cmpi ne, %convert_element_type3A_86, %cond3A_87 : i32
    scf.if %cond3A_88 {
      %dma_start3A_665 = arith.constant 0 : i32
      %dma_start3A_666 = arith.constant 0 : i32
      %dma_start3A_667 = tpu.memref_slice %arg3[%select_n3A_75, %sub3A_78, %dma_start3A_665, %dma_start3A_666] : memref<2x192x224x224xf32, #tpu.memory_space<hbm>> -> memref<1x1x224x224xf32, #tpu.memory_space<hbm>>
      %dma_start3A_668 = tpu.memref_squeeze %dma_start3A_667 : memref<1x1x224x224xf32, #tpu.memory_space<hbm>> -> memref<224x224xf32, #tpu.memory_space<hbm>>
      %dma_start3A_669 = arith.constant 0 : i32
      %dma_start3A_670 = arith.constant 0 : i32
      %dma_start3A_671 = tpu.memref_slice %arg3[%select_n3A_75, %sub3A_78, %dma_start3A_669, %dma_start3A_670] : memref<2x192x224x224xf32, #tpu.memory_space<hbm>> -> memref<1x1x224x224xf32, #tpu.memory_space<hbm>>
      %dma_start3A_672 = tpu.memref_squeeze %dma_start3A_671 : memref<1x1x224x224xf32, #tpu.memory_space<hbm>> -> memref<224x224xf32, #tpu.memory_space<hbm>>
      tpu.enqueue_dma source(%dma_start3A_672 : memref<224x224xf32, #tpu.memory_space<hbm>>) target(%arg5 : memref<224x224xf32, #tpu.memory_space<vmem>>) target_semaphore(%arg7 : memref<!tpu.dma_semaphore, #tpu.memory_space<semaphore_mem>>)
    } else {
    }
    %dma_wait3A_89 = arith.constant 0 : i32
    %dma_wait3A_90 = arith.constant 0 : i32
    %dma_wait3A_91 = arith.constant 0 : i32
    %dma_wait3A_92 = arith.constant 0 : i32
    %dma_wait3A_93 = tpu.memref_slice %arg3[%dma_wait3A_89, %dma_wait3A_90, %dma_wait3A_91, %dma_wait3A_92] : memref<2x192x224x224xf32, #tpu.memory_space<hbm>> -> memref<1x1x224x224xf32, #tpu.memory_space<hbm>>
    %dma_wait3A_94 = tpu.memref_squeeze %dma_wait3A_93 : memref<1x1x224x224xf32, #tpu.memory_space<hbm>> -> memref<224x224xf32, #tpu.memory_space<hbm>>
    %dma_wait3A_95 = arith.constant 0 : i32
    %dma_wait3A_96 = arith.constant 0 : i32
    %dma_wait3A_97 = tpu.memref_slice %arg3[%dma_wait3A_89, %dma_wait3A_90, %dma_wait3A_95, %dma_wait3A_96] : memref<2x192x224x224xf32, #tpu.memory_space<hbm>> -> memref<1x1x224x224xf32, #tpu.memory_space<hbm>>
    %dma_wait3A_98 = tpu.memref_squeeze %dma_wait3A_97 : memref<1x1x224x224xf32, #tpu.memory_space<hbm>> -> memref<224x224xf32, #tpu.memory_space<hbm>>
    tpu.wait_dma2 semaphore(%arg8 : memref<!tpu.dma_semaphore, #tpu.memory_space<semaphore_mem>>) src(%dma_wait3A_98 : memref<224x224xf32, #tpu.memory_space<hbm>>) dst(%arg6 : memref<224x224xf32, #tpu.memory_space<vmem>>)
    %add3A_99 = arith.constant 1 : i32
    %add3A_100 = arith.addi %mul3A_2, %add3A_99 : i32
    %ge3A_101 = arith.constant 192 : i32
    %ge3A_102 = arith.cmpi sge, %add3A_100, %ge3A_101 : i32
    %jit3A_103 = arith.constant 1 : i32
    %jit3A_104 = arith.constant 0 : i32
    %select_n3A_105 = arith.select %ge3A_102, %jit3A_103, %jit3A_104 : i32
    %mul3A_106 = arith.constant 192 : i32
    %mul3A_107 = arith.muli %select_n3A_105, %mul3A_106 : i32
    %sub3A_108 = arith.subi %add3A_100, %mul3A_107 : i32
    %dma_start3A_109 = arith.constant 0 : i32
    %dma_start3A_110 = arith.constant 0 : i32
    %dma_start3A_111 = tpu.memref_slice %arg4[%select_n3A_105, %sub3A_108, %dma_start3A_109, %dma_start3A_110] : memref<2x192x224x224xf32, #tpu.memory_space<hbm>> -> memref<1x1x224x224xf32, #tpu.memory_space<hbm>>
    %dma_start3A_112 = tpu.memref_squeeze %dma_start3A_111 : memref<1x1x224x224xf32, #tpu.memory_space<hbm>> -> memref<224x224xf32, #tpu.memory_space<hbm>>
    %dma_start3A_113 = arith.constant 0 : i32
    %dma_start3A_114 = arith.constant 0 : i32
    %dma_start3A_115 = tpu.memref_slice %arg4[%select_n3A_105, %sub3A_108, %dma_start3A_113, %dma_start3A_114] : memref<2x192x224x224xf32, #tpu.memory_space<hbm>> -> memref<1x1x224x224xf32, #tpu.memory_space<hbm>>
    %dma_start3A_116 = tpu.memref_squeeze %dma_start3A_115 : memref<1x1x224x224xf32, #tpu.memory_space<hbm>> -> memref<224x224xf32, #tpu.memory_space<hbm>>
    tpu.enqueue_dma source(%arg6 : memref<224x224xf32, #tpu.memory_space<vmem>>) target(%dma_start3A_116 : memref<224x224xf32, #tpu.memory_space<hbm>>) target_semaphore(%arg10 : memref<!tpu.dma_semaphore, #tpu.memory_space<semaphore_mem>>)
    %dma_wait3A_117 = arith.constant 0 : i32
    %dma_wait3A_118 = arith.constant 0 : i32
    %dma_wait3A_119 = tpu.memref_slice %arg4[%select_n3A_105, %sub3A_108, %dma_wait3A_117, %dma_wait3A_118] : memref<2x192x224x224xf32, #tpu.memory_space<hbm>> -> memref<1x1x224x224xf32, #tpu.memory_space<hbm>>
    %dma_wait3A_120 = tpu.memref_squeeze %dma_wait3A_119 : memref<1x1x224x224xf32, #tpu.memory_space<hbm>> -> memref<224x224xf32, #tpu.memory_space<hbm>>
    %dma_wait3A_121 = arith.constant 0 : i32
    %dma_wait3A_122 = arith.constant 0 : i32
    %dma_wait3A_123 = tpu.memref_slice %arg4[%select_n3A_105, %sub3A_108, %dma_wait3A_121, %dma_wait3A_122] : memref<2x192x224x224xf32, #tpu.memory_space<hbm>> -> memref<1x1x224x224xf32, #tpu.memory_space<hbm>>
    %dma_wait3A_124 = tpu.memref_squeeze %dma_wait3A_123 : memref<1x1x224x224xf32, #tpu.memory_space<hbm>> -> memref<224x224xf32, #tpu.memory_space<hbm>>
    tpu.wait_dma2 semaphore(%arg10 : memref<!tpu.dma_semaphore, #tpu.memory_space<semaphore_mem>>) src(%arg6 : memref<224x224xf32, #tpu.memory_space<vmem>>) dst(%dma_wait3A_124 : memref<224x224xf32, #tpu.memory_space<hbm>>)
    %add3A_125 = arith.constant 3 : i32
    %add3A_126 = arith.addi %mul3A_2, %add3A_125 : i32
    %ge3A_127 = arith.constant 192 : i32
    %ge3A_128 = arith.cmpi sge, %add3A_126, %ge3A_127 : i32
    %jit3A_129 = arith.constant 1 : i32
    %jit3A_130 = arith.constant 0 : i32
    %select_n3A_131 = arith.select %ge3A_128, %jit3A_129, %jit3A_130 : i32
    %mul3A_132 = arith.constant 192 : i32
    %mul3A_133 = arith.muli %select_n3A_131, %mul3A_132 : i32
    %sub3A_134 = arith.subi %add3A_126, %mul3A_133 : i32
    %eq3A_135 = arith.constant 0 : i32
    %eq3A_136 = arith.cmpi eq, %sub3A_134, %eq3A_135 : i32
    %convert_element_type3A_137 = arith.extui %eq3A_136 : i1 to i32
    %cond3A_138 = arith.constant 0 : i32
    %cond3A_139 = arith.cmpi ne, %convert_element_type3A_137, %cond3A_138 : i32
    scf.if %cond3A_139 {
      %dma_start3A_665 = arith.constant 0 : i32
      %dma_start3A_666 = arith.constant 0 : i32
      %dma_start3A_667 = arith.constant 0 : i32
      %dma_start3A_668 = tpu.memref_slice %arg2[%select_n3A_131, %dma_start3A_665, %dma_start3A_666, %dma_start3A_667] : memref<2x192x224x224xf32, #tpu.memory_space<hbm>> -> memref<1x1x224x224xf32, #tpu.memory_space<hbm>>
      %dma_start3A_669 = tpu.memref_squeeze %dma_start3A_668 : memref<1x1x224x224xf32, #tpu.memory_space<hbm>> -> memref<224x224xf32, #tpu.memory_space<hbm>>
      %dma_start3A_670 = arith.constant 0 : i32
      %dma_start3A_671 = arith.constant 0 : i32
      %dma_start3A_672 = tpu.memref_slice %arg2[%select_n3A_131, %dma_start3A_665, %dma_start3A_670, %dma_start3A_671] : memref<2x192x224x224xf32, #tpu.memory_space<hbm>> -> memref<1x1x224x224xf32, #tpu.memory_space<hbm>>
      %dma_start3A_673 = tpu.memref_squeeze %dma_start3A_672 : memref<1x1x224x224xf32, #tpu.memory_space<hbm>> -> memref<224x224xf32, #tpu.memory_space<hbm>>
      tpu.enqueue_dma source(%dma_start3A_673 : memref<224x224xf32, #tpu.memory_space<hbm>>) target(%arg6 : memref<224x224xf32, #tpu.memory_space<vmem>>) target_semaphore(%arg8 : memref<!tpu.dma_semaphore, #tpu.memory_space<semaphore_mem>>)
    } else {
    }
    %not3A_140 = arith.constant true
    %not3A_141 = arith.xori %eq3A_136, %not3A_140 : i1
    %convert_element_type3A_142 = arith.extui %not3A_141 : i1 to i32
    %cond3A_143 = arith.constant 0 : i32
    %cond3A_144 = arith.cmpi ne, %convert_element_type3A_142, %cond3A_143 : i32
    scf.if %cond3A_144 {
      %dma_start3A_665 = arith.constant 0 : i32
      %dma_start3A_666 = arith.constant 0 : i32
      %dma_start3A_667 = tpu.memref_slice %arg3[%select_n3A_131, %sub3A_134, %dma_start3A_665, %dma_start3A_666] : memref<2x192x224x224xf32, #tpu.memory_space<hbm>> -> memref<1x1x224x224xf32, #tpu.memory_space<hbm>>
      %dma_start3A_668 = tpu.memref_squeeze %dma_start3A_667 : memref<1x1x224x224xf32, #tpu.memory_space<hbm>> -> memref<224x224xf32, #tpu.memory_space<hbm>>
      %dma_start3A_669 = arith.constant 0 : i32
      %dma_start3A_670 = arith.constant 0 : i32
      %dma_start3A_671 = tpu.memref_slice %arg3[%select_n3A_131, %sub3A_134, %dma_start3A_669, %dma_start3A_670] : memref<2x192x224x224xf32, #tpu.memory_space<hbm>> -> memref<1x1x224x224xf32, #tpu.memory_space<hbm>>
      %dma_start3A_672 = tpu.memref_squeeze %dma_start3A_671 : memref<1x1x224x224xf32, #tpu.memory_space<hbm>> -> memref<224x224xf32, #tpu.memory_space<hbm>>
      tpu.enqueue_dma source(%dma_start3A_672 : memref<224x224xf32, #tpu.memory_space<hbm>>) target(%arg6 : memref<224x224xf32, #tpu.memory_space<vmem>>) target_semaphore(%arg8 : memref<!tpu.dma_semaphore, #tpu.memory_space<semaphore_mem>>)
    } else {
    }
    %dma_wait3A_145 = arith.constant 0 : i32
    %dma_wait3A_146 = arith.constant 0 : i32
    %dma_wait3A_147 = arith.constant 0 : i32
    %dma_wait3A_148 = arith.constant 0 : i32
    %dma_wait3A_149 = tpu.memref_slice %arg3[%dma_wait3A_145, %dma_wait3A_146, %dma_wait3A_147, %dma_wait3A_148] : memref<2x192x224x224xf32, #tpu.memory_space<hbm>> -> memref<1x1x224x224xf32, #tpu.memory_space<hbm>>
    %dma_wait3A_150 = tpu.memref_squeeze %dma_wait3A_149 : memref<1x1x224x224xf32, #tpu.memory_space<hbm>> -> memref<224x224xf32, #tpu.memory_space<hbm>>
    %dma_wait3A_151 = arith.constant 0 : i32
    %dma_wait3A_152 = arith.constant 0 : i32
    %dma_wait3A_153 = tpu.memref_slice %arg3[%dma_wait3A_145, %dma_wait3A_146, %dma_wait3A_151, %dma_wait3A_152] : memref<2x192x224x224xf32, #tpu.memory_space<hbm>> -> memref<1x1x224x224xf32, #tpu.memory_space<hbm>>
    %dma_wait3A_154 = tpu.memref_squeeze %dma_wait3A_153 : memref<1x1x224x224xf32, #tpu.memory_space<hbm>> -> memref<224x224xf32, #tpu.memory_space<hbm>>
    tpu.wait_dma2 semaphore(%arg7 : memref<!tpu.dma_semaphore, #tpu.memory_space<semaphore_mem>>) src(%dma_wait3A_154 : memref<224x224xf32, #tpu.memory_space<hbm>>) dst(%arg5 : memref<224x224xf32, #tpu.memory_space<vmem>>)
    %add3A_155 = arith.constant 2 : i32
    %add3A_156 = arith.addi %mul3A_2, %add3A_155 : i32
    %ge3A_157 = arith.constant 192 : i32
    %ge3A_158 = arith.cmpi sge, %add3A_156, %ge3A_157 : i32
    %jit3A_159 = arith.constant 1 : i32
    %jit3A_160 = arith.constant 0 : i32
    %select_n3A_161 = arith.select %ge3A_158, %jit3A_159, %jit3A_160 : i32
    %mul3A_162 = arith.constant 192 : i32
    %mul3A_163 = arith.muli %select_n3A_161, %mul3A_162 : i32
    %sub3A_164 = arith.subi %add3A_156, %mul3A_163 : i32
    %dma_start3A_165 = arith.constant 0 : i32
    %dma_start3A_166 = arith.constant 0 : i32
    %dma_start3A_167 = tpu.memref_slice %arg4[%select_n3A_161, %sub3A_164, %dma_start3A_165, %dma_start3A_166] : memref<2x192x224x224xf32, #tpu.memory_space<hbm>> -> memref<1x1x224x224xf32, #tpu.memory_space<hbm>>
    %dma_start3A_168 = tpu.memref_squeeze %dma_start3A_167 : memref<1x1x224x224xf32, #tpu.memory_space<hbm>> -> memref<224x224xf32, #tpu.memory_space<hbm>>
    %dma_start3A_169 = arith.constant 0 : i32
    %dma_start3A_170 = arith.constant 0 : i32
    %dma_start3A_171 = tpu.memref_slice %arg4[%select_n3A_161, %sub3A_164, %dma_start3A_169, %dma_start3A_170] : memref<2x192x224x224xf32, #tpu.memory_space<hbm>> -> memref<1x1x224x224xf32, #tpu.memory_space<hbm>>
    %dma_start3A_172 = tpu.memref_squeeze %dma_start3A_171 : memref<1x1x224x224xf32, #tpu.memory_space<hbm>> -> memref<224x224xf32, #tpu.memory_space<hbm>>
    tpu.enqueue_dma source(%arg5 : memref<224x224xf32, #tpu.memory_space<vmem>>) target(%dma_start3A_172 : memref<224x224xf32, #tpu.memory_space<hbm>>) target_semaphore(%arg9 : memref<!tpu.dma_semaphore, #tpu.memory_space<semaphore_mem>>)
    %dma_wait3A_173 = arith.constant 0 : i32
    %dma_wait3A_174 = arith.constant 0 : i32
    %dma_wait3A_175 = tpu.memref_slice %arg4[%select_n3A_161, %sub3A_164, %dma_wait3A_173, %dma_wait3A_174] : memref<2x192x224x224xf32, #tpu.memory_space<hbm>> -> memref<1x1x224x224xf32, #tpu.memory_space<hbm>>
    %dma_wait3A_176 = tpu.memref_squeeze %dma_wait3A_175 : memref<1x1x224x224xf32, #tpu.memory_space<hbm>> -> memref<224x224xf32, #tpu.memory_space<hbm>>
    %dma_wait3A_177 = arith.constant 0 : i32
    %dma_wait3A_178 = arith.constant 0 : i32
    %dma_wait3A_179 = tpu.memref_slice %arg4[%select_n3A_161, %sub3A_164, %dma_wait3A_177, %dma_wait3A_178] : memref<2x192x224x224xf32, #tpu.memory_space<hbm>> -> memref<1x1x224x224xf32, #tpu.memory_space<hbm>>
    %dma_wait3A_180 = tpu.memref_squeeze %dma_wait3A_179 : memref<1x1x224x224xf32, #tpu.memory_space<hbm>> -> memref<224x224xf32, #tpu.memory_space<hbm>>
    tpu.wait_dma2 semaphore(%arg9 : memref<!tpu.dma_semaphore, #tpu.memory_space<semaphore_mem>>) src(%arg5 : memref<224x224xf32, #tpu.memory_space<vmem>>) dst(%dma_wait3A_180 : memref<224x224xf32, #tpu.memory_space<hbm>>)
    %add3A_181 = arith.constant 4 : i32
    %add3A_182 = arith.addi %mul3A_2, %add3A_181 : i32
    %ge3A_183 = arith.constant 192 : i32
    %ge3A_184 = arith.cmpi sge, %add3A_182, %ge3A_183 : i32
    %jit3A_185 = arith.constant 1 : i32
    %jit3A_186 = arith.constant 0 : i32
    %select_n3A_187 = arith.select %ge3A_184, %jit3A_185, %jit3A_186 : i32
    %mul3A_188 = arith.constant 192 : i32
    %mul3A_189 = arith.muli %select_n3A_187, %mul3A_188 : i32
    %sub3A_190 = arith.subi %add3A_182, %mul3A_189 : i32
    %eq3A_191 = arith.constant 0 : i32
    %eq3A_192 = arith.cmpi eq, %sub3A_190, %eq3A_191 : i32
    %convert_element_type3A_193 = arith.extui %eq3A_192 : i1 to i32
    %cond3A_194 = arith.constant 0 : i32
    %cond3A_195 = arith.cmpi ne, %convert_element_type3A_193, %cond3A_194 : i32
    scf.if %cond3A_195 {
      %dma_start3A_665 = arith.constant 0 : i32
      %dma_start3A_666 = arith.constant 0 : i32
      %dma_start3A_667 = arith.constant 0 : i32
      %dma_start3A_668 = tpu.memref_slice %arg2[%select_n3A_187, %dma_start3A_665, %dma_start3A_666, %dma_start3A_667] : memref<2x192x224x224xf32, #tpu.memory_space<hbm>> -> memref<1x1x224x224xf32, #tpu.memory_space<hbm>>
      %dma_start3A_669 = tpu.memref_squeeze %dma_start3A_668 : memref<1x1x224x224xf32, #tpu.memory_space<hbm>> -> memref<224x224xf32, #tpu.memory_space<hbm>>
      %dma_start3A_670 = arith.constant 0 : i32
      %dma_start3A_671 = arith.constant 0 : i32
      %dma_start3A_672 = tpu.memref_slice %arg2[%select_n3A_187, %dma_start3A_665, %dma_start3A_670, %dma_start3A_671] : memref<2x192x224x224xf32, #tpu.memory_space<hbm>> -> memref<1x1x224x224xf32, #tpu.memory_space<hbm>>
      %dma_start3A_673 = tpu.memref_squeeze %dma_start3A_672 : memref<1x1x224x224xf32, #tpu.memory_space<hbm>> -> memref<224x224xf32, #tpu.memory_space<hbm>>
      tpu.enqueue_dma source(%dma_start3A_673 : memref<224x224xf32, #tpu.memory_space<hbm>>) target(%arg5 : memref<224x224xf32, #tpu.memory_space<vmem>>) target_semaphore(%arg7 : memref<!tpu.dma_semaphore, #tpu.memory_space<semaphore_mem>>)
    } else {
    }
    %not3A_196 = arith.constant true
    %not3A_197 = arith.xori %eq3A_192, %not3A_196 : i1
    %convert_element_type3A_198 = arith.extui %not3A_197 : i1 to i32
    %cond3A_199 = arith.constant 0 : i32
    %cond3A_200 = arith.cmpi ne, %convert_element_type3A_198, %cond3A_199 : i32
    scf.if %cond3A_200 {
      %dma_start3A_665 = arith.constant 0 : i32
      %dma_start3A_666 = arith.constant 0 : i32
      %dma_start3A_667 = tpu.memref_slice %arg3[%select_n3A_187, %sub3A_190, %dma_start3A_665, %dma_start3A_666] : memref<2x192x224x224xf32, #tpu.memory_space<hbm>> -> memref<1x1x224x224xf32, #tpu.memory_space<hbm>>
      %dma_start3A_668 = tpu.memref_squeeze %dma_start3A_667 : memref<1x1x224x224xf32, #tpu.memory_space<hbm>> -> memref<224x224xf32, #tpu.memory_space<hbm>>
      %dma_start3A_669 = arith.constant 0 : i32
      %dma_start3A_670 = arith.constant 0 : i32
      %dma_start3A_671 = tpu.memref_slice %arg3[%select_n3A_187, %sub3A_190, %dma_start3A_669, %dma_start3A_670] : memref<2x192x224x224xf32, #tpu.memory_space<hbm>> -> memref<1x1x224x224xf32, #tpu.memory_space<hbm>>
      %dma_start3A_672 = tpu.memref_squeeze %dma_start3A_671 : memref<1x1x224x224xf32, #tpu.memory_space<hbm>> -> memref<224x224xf32, #tpu.memory_space<hbm>>
      tpu.enqueue_dma source(%dma_start3A_672 : memref<224x224xf32, #tpu.memory_space<hbm>>) target(%arg5 : memref<224x224xf32, #tpu.memory_space<vmem>>) target_semaphore(%arg7 : memref<!tpu.dma_semaphore, #tpu.memory_space<semaphore_mem>>)
    } else {
    }
    %dma_wait3A_201 = arith.constant 0 : i32
    %dma_wait3A_202 = arith.constant 0 : i32
    %dma_wait3A_203 = arith.constant 0 : i32
    %dma_wait3A_204 = arith.constant 0 : i32
    %dma_wait3A_205 = tpu.memref_slice %arg3[%dma_wait3A_201, %dma_wait3A_202, %dma_wait3A_203, %dma_wait3A_204] : memref<2x192x224x224xf32, #tpu.memory_space<hbm>> -> memref<1x1x224x224xf32, #tpu.memory_space<hbm>>
    %dma_wait3A_206 = tpu.memref_squeeze %dma_wait3A_205 : memref<1x1x224x224xf32, #tpu.memory_space<hbm>> -> memref<224x224xf32, #tpu.memory_space<hbm>>
    %dma_wait3A_207 = arith.constant 0 : i32
    %dma_wait3A_208 = arith.constant 0 : i32
    %dma_wait3A_209 = tpu.memref_slice %arg3[%dma_wait3A_201, %dma_wait3A_202, %dma_wait3A_207, %dma_wait3A_208] : memref<2x192x224x224xf32, #tpu.memory_space<hbm>> -> memref<1x1x224x224xf32, #tpu.memory_space<hbm>>
    %dma_wait3A_210 = tpu.memref_squeeze %dma_wait3A_209 : memref<1x1x224x224xf32, #tpu.memory_space<hbm>> -> memref<224x224xf32, #tpu.memory_space<hbm>>
    tpu.wait_dma2 semaphore(%arg8 : memref<!tpu.dma_semaphore, #tpu.memory_space<semaphore_mem>>) src(%dma_wait3A_210 : memref<224x224xf32, #tpu.memory_space<hbm>>) dst(%arg6 : memref<224x224xf32, #tpu.memory_space<vmem>>)
    %add3A_211 = arith.constant 3 : i32
    %add3A_212 = arith.addi %mul3A_2, %add3A_211 : i32
    %ge3A_213 = arith.constant 192 : i32
    %ge3A_214 = arith.cmpi sge, %add3A_212, %ge3A_213 : i32
    %jit3A_215 = arith.constant 1 : i32
    %jit3A_216 = arith.constant 0 : i32
    %select_n3A_217 = arith.select %ge3A_214, %jit3A_215, %jit3A_216 : i32
    %mul3A_218 = arith.constant 192 : i32
    %mul3A_219 = arith.muli %select_n3A_217, %mul3A_218 : i32
    %sub3A_220 = arith.subi %add3A_212, %mul3A_219 : i32
    %dma_start3A_221 = arith.constant 0 : i32
    %dma_start3A_222 = arith.constant 0 : i32
    %dma_start3A_223 = tpu.memref_slice %arg4[%select_n3A_217, %sub3A_220, %dma_start3A_221, %dma_start3A_222] : memref<2x192x224x224xf32, #tpu.memory_space<hbm>> -> memref<1x1x224x224xf32, #tpu.memory_space<hbm>>
    %dma_start3A_224 = tpu.memref_squeeze %dma_start3A_223 : memref<1x1x224x224xf32, #tpu.memory_space<hbm>> -> memref<224x224xf32, #tpu.memory_space<hbm>>
    %dma_start3A_225 = arith.constant 0 : i32
    %dma_start3A_226 = arith.constant 0 : i32
    %dma_start3A_227 = tpu.memref_slice %arg4[%select_n3A_217, %sub3A_220, %dma_start3A_225, %dma_start3A_226] : memref<2x192x224x224xf32, #tpu.memory_space<hbm>> -> memref<1x1x224x224xf32, #tpu.memory_space<hbm>>
    %dma_start3A_228 = tpu.memref_squeeze %dma_start3A_227 : memref<1x1x224x224xf32, #tpu.memory_space<hbm>> -> memref<224x224xf32, #tpu.memory_space<hbm>>
    tpu.enqueue_dma source(%arg6 : memref<224x224xf32, #tpu.memory_space<vmem>>) target(%dma_start3A_228 : memref<224x224xf32, #tpu.memory_space<hbm>>) target_semaphore(%arg10 : memref<!tpu.dma_semaphore, #tpu.memory_space<semaphore_mem>>)
    %dma_wait3A_229 = arith.constant 0 : i32
    %dma_wait3A_230 = arith.constant 0 : i32
    %dma_wait3A_231 = tpu.memref_slice %arg4[%select_n3A_217, %sub3A_220, %dma_wait3A_229, %dma_wait3A_230] : memref<2x192x224x224xf32, #tpu.memory_space<hbm>> -> memref<1x1x224x224xf32, #tpu.memory_space<hbm>>
    %dma_wait3A_232 = tpu.memref_squeeze %dma_wait3A_231 : memref<1x1x224x224xf32, #tpu.memory_space<hbm>> -> memref<224x224xf32, #tpu.memory_space<hbm>>
    %dma_wait3A_233 = arith.constant 0 : i32
    %dma_wait3A_234 = arith.constant 0 : i32
    %dma_wait3A_235 = tpu.memref_slice %arg4[%select_n3A_217, %sub3A_220, %dma_wait3A_233, %dma_wait3A_234] : memref<2x192x224x224xf32, #tpu.memory_space<hbm>> -> memref<1x1x224x224xf32, #tpu.memory_space<hbm>>
    %dma_wait3A_236 = tpu.memref_squeeze %dma_wait3A_235 : memref<1x1x224x224xf32, #tpu.memory_space<hbm>> -> memref<224x224xf32, #tpu.memory_space<hbm>>
    tpu.wait_dma2 semaphore(%arg10 : memref<!tpu.dma_semaphore, #tpu.memory_space<semaphore_mem>>) src(%arg6 : memref<224x224xf32, #tpu.memory_space<vmem>>) dst(%dma_wait3A_236 : memref<224x224xf32, #tpu.memory_space<hbm>>)
    %add3A_237 = arith.constant 5 : i32
    %add3A_238 = arith.addi %mul3A_2, %add3A_237 : i32
    %ge3A_239 = arith.constant 192 : i32
    %ge3A_240 = arith.cmpi sge, %add3A_238, %ge3A_239 : i32
    %jit3A_241 = arith.constant 1 : i32
    %jit3A_242 = arith.constant 0 : i32
    %select_n3A_243 = arith.select %ge3A_240, %jit3A_241, %jit3A_242 : i32
    %mul3A_244 = arith.constant 192 : i32
    %mul3A_245 = arith.muli %select_n3A_243, %mul3A_244 : i32
    %sub3A_246 = arith.subi %add3A_238, %mul3A_245 : i32
    %eq3A_247 = arith.constant 0 : i32
    %eq3A_248 = arith.cmpi eq, %sub3A_246, %eq3A_247 : i32
    %convert_element_type3A_249 = arith.extui %eq3A_248 : i1 to i32
    %cond3A_250 = arith.constant 0 : i32
    %cond3A_251 = arith.cmpi ne, %convert_element_type3A_249, %cond3A_250 : i32
    scf.if %cond3A_251 {
      %dma_start3A_665 = arith.constant 0 : i32
      %dma_start3A_666 = arith.constant 0 : i32
      %dma_start3A_667 = arith.constant 0 : i32
      %dma_start3A_668 = tpu.memref_slice %arg2[%select_n3A_243, %dma_start3A_665, %dma_start3A_666, %dma_start3A_667] : memref<2x192x224x224xf32, #tpu.memory_space<hbm>> -> memref<1x1x224x224xf32, #tpu.memory_space<hbm>>
      %dma_start3A_669 = tpu.memref_squeeze %dma_start3A_668 : memref<1x1x224x224xf32, #tpu.memory_space<hbm>> -> memref<224x224xf32, #tpu.memory_space<hbm>>
      %dma_start3A_670 = arith.constant 0 : i32
      %dma_start3A_671 = arith.constant 0 : i32
      %dma_start3A_672 = tpu.memref_slice %arg2[%select_n3A_243, %dma_start3A_665, %dma_start3A_670, %dma_start3A_671] : memref<2x192x224x224xf32, #tpu.memory_space<hbm>> -> memref<1x1x224x224xf32, #tpu.memory_space<hbm>>
      %dma_start3A_673 = tpu.memref_squeeze %dma_start3A_672 : memref<1x1x224x224xf32, #tpu.memory_space<hbm>> -> memref<224x224xf32, #tpu.memory_space<hbm>>
      tpu.enqueue_dma source(%dma_start3A_673 : memref<224x224xf32, #tpu.memory_space<hbm>>) target(%arg6 : memref<224x224xf32, #tpu.memory_space<vmem>>) target_semaphore(%arg8 : memref<!tpu.dma_semaphore, #tpu.memory_space<semaphore_mem>>)
    } else {
    }
    %not3A_252 = arith.constant true
    %not3A_253 = arith.xori %eq3A_248, %not3A_252 : i1
    %convert_element_type3A_254 = arith.extui %not3A_253 : i1 to i32
    %cond3A_255 = arith.constant 0 : i32
    %cond3A_256 = arith.cmpi ne, %convert_element_type3A_254, %cond3A_255 : i32
    scf.if %cond3A_256 {
      %dma_start3A_665 = arith.constant 0 : i32
      %dma_start3A_666 = arith.constant 0 : i32
      %dma_start3A_667 = tpu.memref_slice %arg3[%select_n3A_243, %sub3A_246, %dma_start3A_665, %dma_start3A_666] : memref<2x192x224x224xf32, #tpu.memory_space<hbm>> -> memref<1x1x224x224xf32, #tpu.memory_space<hbm>>
      %dma_start3A_668 = tpu.memref_squeeze %dma_start3A_667 : memref<1x1x224x224xf32, #tpu.memory_space<hbm>> -> memref<224x224xf32, #tpu.memory_space<hbm>>
      %dma_start3A_669 = arith.constant 0 : i32
      %dma_start3A_670 = arith.constant 0 : i32
      %dma_start3A_671 = tpu.memref_slice %arg3[%select_n3A_243, %sub3A_246, %dma_start3A_669, %dma_start3A_670] : memref<2x192x224x224xf32, #tpu.memory_space<hbm>> -> memref<1x1x224x224xf32, #tpu.memory_space<hbm>>
      %dma_start3A_672 = tpu.memref_squeeze %dma_start3A_671 : memref<1x1x224x224xf32, #tpu.memory_space<hbm>> -> memref<224x224xf32, #tpu.memory_space<hbm>>
      tpu.enqueue_dma source(%dma_start3A_672 : memref<224x224xf32, #tpu.memory_space<hbm>>) target(%arg6 : memref<224x224xf32, #tpu.memory_space<vmem>>) target_semaphore(%arg8 : memref<!tpu.dma_semaphore, #tpu.memory_space<semaphore_mem>>)
    } else {
    }
    %dma_wait3A_257 = arith.constant 0 : i32
    %dma_wait3A_258 = arith.constant 0 : i32
    %dma_wait3A_259 = arith.constant 0 : i32
    %dma_wait3A_260 = arith.constant 0 : i32
    %dma_wait3A_261 = tpu.memref_slice %arg3[%dma_wait3A_257, %dma_wait3A_258, %dma_wait3A_259, %dma_wait3A_260] : memref<2x192x224x224xf32, #tpu.memory_space<hbm>> -> memref<1x1x224x224xf32, #tpu.memory_space<hbm>>
    %dma_wait3A_262 = tpu.memref_squeeze %dma_wait3A_261 : memref<1x1x224x224xf32, #tpu.memory_space<hbm>> -> memref<224x224xf32, #tpu.memory_space<hbm>>
    %dma_wait3A_263 = arith.constant 0 : i32
    %dma_wait3A_264 = arith.constant 0 : i32
    %dma_wait3A_265 = tpu.memref_slice %arg3[%dma_wait3A_257, %dma_wait3A_258, %dma_wait3A_263, %dma_wait3A_264] : memref<2x192x224x224xf32, #tpu.memory_space<hbm>> -> memref<1x1x224x224xf32, #tpu.memory_space<hbm>>
    %dma_wait3A_266 = tpu.memref_squeeze %dma_wait3A_265 : memref<1x1x224x224xf32, #tpu.memory_space<hbm>> -> memref<224x224xf32, #tpu.memory_space<hbm>>
    tpu.wait_dma2 semaphore(%arg7 : memref<!tpu.dma_semaphore, #tpu.memory_space<semaphore_mem>>) src(%dma_wait3A_266 : memref<224x224xf32, #tpu.memory_space<hbm>>) dst(%arg5 : memref<224x224xf32, #tpu.memory_space<vmem>>)
    %add3A_267 = arith.constant 4 : i32
    %add3A_268 = arith.addi %mul3A_2, %add3A_267 : i32
    %ge3A_269 = arith.constant 192 : i32
    %ge3A_270 = arith.cmpi sge, %add3A_268, %ge3A_269 : i32
    %jit3A_271 = arith.constant 1 : i32
    %jit3A_272 = arith.constant 0 : i32
    %select_n3A_273 = arith.select %ge3A_270, %jit3A_271, %jit3A_272 : i32
    %mul3A_274 = arith.constant 192 : i32
    %mul3A_275 = arith.muli %select_n3A_273, %mul3A_274 : i32
    %sub3A_276 = arith.subi %add3A_268, %mul3A_275 : i32
    %dma_start3A_277 = arith.constant 0 : i32
    %dma_start3A_278 = arith.constant 0 : i32
    %dma_start3A_279 = tpu.memref_slice %arg4[%select_n3A_273, %sub3A_276, %dma_start3A_277, %dma_start3A_278] : memref<2x192x224x224xf32, #tpu.memory_space<hbm>> -> memref<1x1x224x224xf32, #tpu.memory_space<hbm>>
    %dma_start3A_280 = tpu.memref_squeeze %dma_start3A_279 : memref<1x1x224x224xf32, #tpu.memory_space<hbm>> -> memref<224x224xf32, #tpu.memory_space<hbm>>
    %dma_start3A_281 = arith.constant 0 : i32
    %dma_start3A_282 = arith.constant 0 : i32
    %dma_start3A_283 = tpu.memref_slice %arg4[%select_n3A_273, %sub3A_276, %dma_start3A_281, %dma_start3A_282] : memref<2x192x224x224xf32, #tpu.memory_space<hbm>> -> memref<1x1x224x224xf32, #tpu.memory_space<hbm>>
    %dma_start3A_284 = tpu.memref_squeeze %dma_start3A_283 : memref<1x1x224x224xf32, #tpu.memory_space<hbm>> -> memref<224x224xf32, #tpu.memory_space<hbm>>
    tpu.enqueue_dma source(%arg5 : memref<224x224xf32, #tpu.memory_space<vmem>>) target(%dma_start3A_284 : memref<224x224xf32, #tpu.memory_space<hbm>>) target_semaphore(%arg9 : memref<!tpu.dma_semaphore, #tpu.memory_space<semaphore_mem>>)
    %dma_wait3A_285 = arith.constant 0 : i32
    %dma_wait3A_286 = arith.constant 0 : i32
    %dma_wait3A_287 = tpu.memref_slice %arg4[%select_n3A_273, %sub3A_276, %dma_wait3A_285, %dma_wait3A_286] : memref<2x192x224x224xf32, #tpu.memory_space<hbm>> -> memref<1x1x224x224xf32, #tpu.memory_space<hbm>>
    %dma_wait3A_288 = tpu.memref_squeeze %dma_wait3A_287 : memref<1x1x224x224xf32, #tpu.memory_space<hbm>> -> memref<224x224xf32, #tpu.memory_space<hbm>>
    %dma_wait3A_289 = arith.constant 0 : i32
    %dma_wait3A_290 = arith.constant 0 : i32
    %dma_wait3A_291 = tpu.memref_slice %arg4[%select_n3A_273, %sub3A_276, %dma_wait3A_289, %dma_wait3A_290] : memref<2x192x224x224xf32, #tpu.memory_space<hbm>> -> memref<1x1x224x224xf32, #tpu.memory_space<hbm>>
    %dma_wait3A_292 = tpu.memref_squeeze %dma_wait3A_291 : memref<1x1x224x224xf32, #tpu.memory_space<hbm>> -> memref<224x224xf32, #tpu.memory_space<hbm>>
    tpu.wait_dma2 semaphore(%arg9 : memref<!tpu.dma_semaphore, #tpu.memory_space<semaphore_mem>>) src(%arg5 : memref<224x224xf32, #tpu.memory_space<vmem>>) dst(%dma_wait3A_292 : memref<224x224xf32, #tpu.memory_space<hbm>>)
    %add3A_293 = arith.constant 6 : i32
    %add3A_294 = arith.addi %mul3A_2, %add3A_293 : i32
    %ge3A_295 = arith.constant 192 : i32
    %ge3A_296 = arith.cmpi sge, %add3A_294, %ge3A_295 : i32
    %jit3A_297 = arith.constant 1 : i32
    %jit3A_298 = arith.constant 0 : i32
    %select_n3A_299 = arith.select %ge3A_296, %jit3A_297, %jit3A_298 : i32
    %mul3A_300 = arith.constant 192 : i32
    %mul3A_301 = arith.muli %select_n3A_299, %mul3A_300 : i32
    %sub3A_302 = arith.subi %add3A_294, %mul3A_301 : i32
    %eq3A_303 = arith.constant 0 : i32
    %eq3A_304 = arith.cmpi eq, %sub3A_302, %eq3A_303 : i32
    %convert_element_type3A_305 = arith.extui %eq3A_304 : i1 to i32
    %cond3A_306 = arith.constant 0 : i32
    %cond3A_307 = arith.cmpi ne, %convert_element_type3A_305, %cond3A_306 : i32
    scf.if %cond3A_307 {
      %dma_start3A_665 = arith.constant 0 : i32
      %dma_start3A_666 = arith.constant 0 : i32
      %dma_start3A_667 = arith.constant 0 : i32
      %dma_start3A_668 = tpu.memref_slice %arg2[%select_n3A_299, %dma_start3A_665, %dma_start3A_666, %dma_start3A_667] : memref<2x192x224x224xf32, #tpu.memory_space<hbm>> -> memref<1x1x224x224xf32, #tpu.memory_space<hbm>>
      %dma_start3A_669 = tpu.memref_squeeze %dma_start3A_668 : memref<1x1x224x224xf32, #tpu.memory_space<hbm>> -> memref<224x224xf32, #tpu.memory_space<hbm>>
      %dma_start3A_670 = arith.constant 0 : i32
      %dma_start3A_671 = arith.constant 0 : i32
      %dma_start3A_672 = tpu.memref_slice %arg2[%select_n3A_299, %dma_start3A_665, %dma_start3A_670, %dma_start3A_671] : memref<2x192x224x224xf32, #tpu.memory_space<hbm>> -> memref<1x1x224x224xf32, #tpu.memory_space<hbm>>
      %dma_start3A_673 = tpu.memref_squeeze %dma_start3A_672 : memref<1x1x224x224xf32, #tpu.memory_space<hbm>> -> memref<224x224xf32, #tpu.memory_space<hbm>>
      tpu.enqueue_dma source(%dma_start3A_673 : memref<224x224xf32, #tpu.memory_space<hbm>>) target(%arg5 : memref<224x224xf32, #tpu.memory_space<vmem>>) target_semaphore(%arg7 : memref<!tpu.dma_semaphore, #tpu.memory_space<semaphore_mem>>)
    } else {
    }
    %not3A_308 = arith.constant true
    %not3A_309 = arith.xori %eq3A_304, %not3A_308 : i1
    %convert_element_type3A_310 = arith.extui %not3A_309 : i1 to i32
    %cond3A_311 = arith.constant 0 : i32
    %cond3A_312 = arith.cmpi ne, %convert_element_type3A_310, %cond3A_311 : i32
    scf.if %cond3A_312 {
      %dma_start3A_665 = arith.constant 0 : i32
      %dma_start3A_666 = arith.constant 0 : i32
      %dma_start3A_667 = tpu.memref_slice %arg3[%select_n3A_299, %sub3A_302, %dma_start3A_665, %dma_start3A_666] : memref<2x192x224x224xf32, #tpu.memory_space<hbm>> -> memref<1x1x224x224xf32, #tpu.memory_space<hbm>>
      %dma_start3A_668 = tpu.memref_squeeze %dma_start3A_667 : memref<1x1x224x224xf32, #tpu.memory_space<hbm>> -> memref<224x224xf32, #tpu.memory_space<hbm>>
      %dma_start3A_669 = arith.constant 0 : i32
      %dma_start3A_670 = arith.constant 0 : i32
      %dma_start3A_671 = tpu.memref_slice %arg3[%select_n3A_299, %sub3A_302, %dma_start3A_669, %dma_start3A_670] : memref<2x192x224x224xf32, #tpu.memory_space<hbm>> -> memref<1x1x224x224xf32, #tpu.memory_space<hbm>>
      %dma_start3A_672 = tpu.memref_squeeze %dma_start3A_671 : memref<1x1x224x224xf32, #tpu.memory_space<hbm>> -> memref<224x224xf32, #tpu.memory_space<hbm>>
      tpu.enqueue_dma source(%dma_start3A_672 : memref<224x224xf32, #tpu.memory_space<hbm>>) target(%arg5 : memref<224x224xf32, #tpu.memory_space<vmem>>) target_semaphore(%arg7 : memref<!tpu.dma_semaphore, #tpu.memory_space<semaphore_mem>>)
    } else {
    }
    %dma_wait3A_313 = arith.constant 0 : i32
    %dma_wait3A_314 = arith.constant 0 : i32
    %dma_wait3A_315 = arith.constant 0 : i32
    %dma_wait3A_316 = arith.constant 0 : i32
    %dma_wait3A_317 = tpu.memref_slice %arg3[%dma_wait3A_313, %dma_wait3A_314, %dma_wait3A_315, %dma_wait3A_316] : memref<2x192x224x224xf32, #tpu.memory_space<hbm>> -> memref<1x1x224x224xf32, #tpu.memory_space<hbm>>
    %dma_wait3A_318 = tpu.memref_squeeze %dma_wait3A_317 : memref<1x1x224x224xf32, #tpu.memory_space<hbm>> -> memref<224x224xf32, #tpu.memory_space<hbm>>
    %dma_wait3A_319 = arith.constant 0 : i32
    %dma_wait3A_320 = arith.constant 0 : i32
    %dma_wait3A_321 = tpu.memref_slice %arg3[%dma_wait3A_313, %dma_wait3A_314, %dma_wait3A_319, %dma_wait3A_320] : memref<2x192x224x224xf32, #tpu.memory_space<hbm>> -> memref<1x1x224x224xf32, #tpu.memory_space<hbm>>
    %dma_wait3A_322 = tpu.memref_squeeze %dma_wait3A_321 : memref<1x1x224x224xf32, #tpu.memory_space<hbm>> -> memref<224x224xf32, #tpu.memory_space<hbm>>
    tpu.wait_dma2 semaphore(%arg8 : memref<!tpu.dma_semaphore, #tpu.memory_space<semaphore_mem>>) src(%dma_wait3A_322 : memref<224x224xf32, #tpu.memory_space<hbm>>) dst(%arg6 : memref<224x224xf32, #tpu.memory_space<vmem>>)
    %add3A_323 = arith.constant 5 : i32
    %add3A_324 = arith.addi %mul3A_2, %add3A_323 : i32
    %ge3A_325 = arith.constant 192 : i32
    %ge3A_326 = arith.cmpi sge, %add3A_324, %ge3A_325 : i32
    %jit3A_327 = arith.constant 1 : i32
    %jit3A_328 = arith.constant 0 : i32
    %select_n3A_329 = arith.select %ge3A_326, %jit3A_327, %jit3A_328 : i32
    %mul3A_330 = arith.constant 192 : i32
    %mul3A_331 = arith.muli %select_n3A_329, %mul3A_330 : i32
    %sub3A_332 = arith.subi %add3A_324, %mul3A_331 : i32
    %dma_start3A_333 = arith.constant 0 : i32
    %dma_start3A_334 = arith.constant 0 : i32
    %dma_start3A_335 = tpu.memref_slice %arg4[%select_n3A_329, %sub3A_332, %dma_start3A_333, %dma_start3A_334] : memref<2x192x224x224xf32, #tpu.memory_space<hbm>> -> memref<1x1x224x224xf32, #tpu.memory_space<hbm>>
    %dma_start3A_336 = tpu.memref_squeeze %dma_start3A_335 : memref<1x1x224x224xf32, #tpu.memory_space<hbm>> -> memref<224x224xf32, #tpu.memory_space<hbm>>
    %dma_start3A_337 = arith.constant 0 : i32
    %dma_start3A_338 = arith.constant 0 : i32
    %dma_start3A_339 = tpu.memref_slice %arg4[%select_n3A_329, %sub3A_332, %dma_start3A_337, %dma_start3A_338] : memref<2x192x224x224xf32, #tpu.memory_space<hbm>> -> memref<1x1x224x224xf32, #tpu.memory_space<hbm>>
    %dma_start3A_340 = tpu.memref_squeeze %dma_start3A_339 : memref<1x1x224x224xf32, #tpu.memory_space<hbm>> -> memref<224x224xf32, #tpu.memory_space<hbm>>
    tpu.enqueue_dma source(%arg6 : memref<224x224xf32, #tpu.memory_space<vmem>>) target(%dma_start3A_340 : memref<224x224xf32, #tpu.memory_space<hbm>>) target_semaphore(%arg10 : memref<!tpu.dma_semaphore, #tpu.memory_space<semaphore_mem>>)
    %dma_wait3A_341 = arith.constant 0 : i32
    %dma_wait3A_342 = arith.constant 0 : i32
    %dma_wait3A_343 = tpu.memref_slice %arg4[%select_n3A_329, %sub3A_332, %dma_wait3A_341, %dma_wait3A_342] : memref<2x192x224x224xf32, #tpu.memory_space<hbm>> -> memref<1x1x224x224xf32, #tpu.memory_space<hbm>>
    %dma_wait3A_344 = tpu.memref_squeeze %dma_wait3A_343 : memref<1x1x224x224xf32, #tpu.memory_space<hbm>> -> memref<224x224xf32, #tpu.memory_space<hbm>>
    %dma_wait3A_345 = arith.constant 0 : i32
    %dma_wait3A_346 = arith.constant 0 : i32
    %dma_wait3A_347 = tpu.memref_slice %arg4[%select_n3A_329, %sub3A_332, %dma_wait3A_345, %dma_wait3A_346] : memref<2x192x224x224xf32, #tpu.memory_space<hbm>> -> memref<1x1x224x224xf32, #tpu.memory_space<hbm>>
    %dma_wait3A_348 = tpu.memref_squeeze %dma_wait3A_347 : memref<1x1x224x224xf32, #tpu.memory_space<hbm>> -> memref<224x224xf32, #tpu.memory_space<hbm>>
    tpu.wait_dma2 semaphore(%arg10 : memref<!tpu.dma_semaphore, #tpu.memory_space<semaphore_mem>>) src(%arg6 : memref<224x224xf32, #tpu.memory_space<vmem>>) dst(%dma_wait3A_348 : memref<224x224xf32, #tpu.memory_space<hbm>>)
    %add3A_349 = arith.constant 7 : i32
    %add3A_350 = arith.addi %mul3A_2, %add3A_349 : i32
    %ge3A_351 = arith.constant 192 : i32
    %ge3A_352 = arith.cmpi sge, %add3A_350, %ge3A_351 : i32
    %jit3A_353 = arith.constant 1 : i32
    %jit3A_354 = arith.constant 0 : i32
    %select_n3A_355 = arith.select %ge3A_352, %jit3A_353, %jit3A_354 : i32
    %mul3A_356 = arith.constant 192 : i32
    %mul3A_357 = arith.muli %select_n3A_355, %mul3A_356 : i32
    %sub3A_358 = arith.subi %add3A_350, %mul3A_357 : i32
    %eq3A_359 = arith.constant 0 : i32
    %eq3A_360 = arith.cmpi eq, %sub3A_358, %eq3A_359 : i32
    %convert_element_type3A_361 = arith.extui %eq3A_360 : i1 to i32
    %cond3A_362 = arith.constant 0 : i32
    %cond3A_363 = arith.cmpi ne, %convert_element_type3A_361, %cond3A_362 : i32
    scf.if %cond3A_363 {
      %dma_start3A_665 = arith.constant 0 : i32
      %dma_start3A_666 = arith.constant 0 : i32
      %dma_start3A_667 = arith.constant 0 : i32
      %dma_start3A_668 = tpu.memref_slice %arg2[%select_n3A_355, %dma_start3A_665, %dma_start3A_666, %dma_start3A_667] : memref<2x192x224x224xf32, #tpu.memory_space<hbm>> -> memref<1x1x224x224xf32, #tpu.memory_space<hbm>>
      %dma_start3A_669 = tpu.memref_squeeze %dma_start3A_668 : memref<1x1x224x224xf32, #tpu.memory_space<hbm>> -> memref<224x224xf32, #tpu.memory_space<hbm>>
      %dma_start3A_670 = arith.constant 0 : i32
      %dma_start3A_671 = arith.constant 0 : i32
      %dma_start3A_672 = tpu.memref_slice %arg2[%select_n3A_355, %dma_start3A_665, %dma_start3A_670, %dma_start3A_671] : memref<2x192x224x224xf32, #tpu.memory_space<hbm>> -> memref<1x1x224x224xf32, #tpu.memory_space<hbm>>
      %dma_start3A_673 = tpu.memref_squeeze %dma_start3A_672 : memref<1x1x224x224xf32, #tpu.memory_space<hbm>> -> memref<224x224xf32, #tpu.memory_space<hbm>>
      tpu.enqueue_dma source(%dma_start3A_673 : memref<224x224xf32, #tpu.memory_space<hbm>>) target(%arg6 : memref<224x224xf32, #tpu.memory_space<vmem>>) target_semaphore(%arg8 : memref<!tpu.dma_semaphore, #tpu.memory_space<semaphore_mem>>)
    } else {
    }
    %not3A_364 = arith.constant true
    %not3A_365 = arith.xori %eq3A_360, %not3A_364 : i1
    %convert_element_type3A_366 = arith.extui %not3A_365 : i1 to i32
    %cond3A_367 = arith.constant 0 : i32
    %cond3A_368 = arith.cmpi ne, %convert_element_type3A_366, %cond3A_367 : i32
    scf.if %cond3A_368 {
      %dma_start3A_665 = arith.constant 0 : i32
      %dma_start3A_666 = arith.constant 0 : i32
      %dma_start3A_667 = tpu.memref_slice %arg3[%select_n3A_355, %sub3A_358, %dma_start3A_665, %dma_start3A_666] : memref<2x192x224x224xf32, #tpu.memory_space<hbm>> -> memref<1x1x224x224xf32, #tpu.memory_space<hbm>>
      %dma_start3A_668 = tpu.memref_squeeze %dma_start3A_667 : memref<1x1x224x224xf32, #tpu.memory_space<hbm>> -> memref<224x224xf32, #tpu.memory_space<hbm>>
      %dma_start3A_669 = arith.constant 0 : i32
      %dma_start3A_670 = arith.constant 0 : i32
      %dma_start3A_671 = tpu.memref_slice %arg3[%select_n3A_355, %sub3A_358, %dma_start3A_669, %dma_start3A_670] : memref<2x192x224x224xf32, #tpu.memory_space<hbm>> -> memref<1x1x224x224xf32, #tpu.memory_space<hbm>>
      %dma_start3A_672 = tpu.memref_squeeze %dma_start3A_671 : memref<1x1x224x224xf32, #tpu.memory_space<hbm>> -> memref<224x224xf32, #tpu.memory_space<hbm>>
      tpu.enqueue_dma source(%dma_start3A_672 : memref<224x224xf32, #tpu.memory_space<hbm>>) target(%arg6 : memref<224x224xf32, #tpu.memory_space<vmem>>) target_semaphore(%arg8 : memref<!tpu.dma_semaphore, #tpu.memory_space<semaphore_mem>>)
    } else {
    }
    %dma_wait3A_369 = arith.constant 0 : i32
    %dma_wait3A_370 = arith.constant 0 : i32
    %dma_wait3A_371 = arith.constant 0 : i32
    %dma_wait3A_372 = arith.constant 0 : i32
    %dma_wait3A_373 = tpu.memref_slice %arg3[%dma_wait3A_369, %dma_wait3A_370, %dma_wait3A_371, %dma_wait3A_372] : memref<2x192x224x224xf32, #tpu.memory_space<hbm>> -> memref<1x1x224x224xf32, #tpu.memory_space<hbm>>
    %dma_wait3A_374 = tpu.memref_squeeze %dma_wait3A_373 : memref<1x1x224x224xf32, #tpu.memory_space<hbm>> -> memref<224x224xf32, #tpu.memory_space<hbm>>
    %dma_wait3A_375 = arith.constant 0 : i32
    %dma_wait3A_376 = arith.constant 0 : i32
    %dma_wait3A_377 = tpu.memref_slice %arg3[%dma_wait3A_369, %dma_wait3A_370, %dma_wait3A_375, %dma_wait3A_376] : memref<2x192x224x224xf32, #tpu.memory_space<hbm>> -> memref<1x1x224x224xf32, #tpu.memory_space<hbm>>
    %dma_wait3A_378 = tpu.memref_squeeze %dma_wait3A_377 : memref<1x1x224x224xf32, #tpu.memory_space<hbm>> -> memref<224x224xf32, #tpu.memory_space<hbm>>
    tpu.wait_dma2 semaphore(%arg7 : memref<!tpu.dma_semaphore, #tpu.memory_space<semaphore_mem>>) src(%dma_wait3A_378 : memref<224x224xf32, #tpu.memory_space<hbm>>) dst(%arg5 : memref<224x224xf32, #tpu.memory_space<vmem>>)
    %add3A_379 = arith.constant 6 : i32
    %add3A_380 = arith.addi %mul3A_2, %add3A_379 : i32
    %ge3A_381 = arith.constant 192 : i32
    %ge3A_382 = arith.cmpi sge, %add3A_380, %ge3A_381 : i32
    %jit3A_383 = arith.constant 1 : i32
    %jit3A_384 = arith.constant 0 : i32
    %select_n3A_385 = arith.select %ge3A_382, %jit3A_383, %jit3A_384 : i32
    %mul3A_386 = arith.constant 192 : i32
    %mul3A_387 = arith.muli %select_n3A_385, %mul3A_386 : i32
    %sub3A_388 = arith.subi %add3A_380, %mul3A_387 : i32
    %dma_start3A_389 = arith.constant 0 : i32
    %dma_start3A_390 = arith.constant 0 : i32
    %dma_start3A_391 = tpu.memref_slice %arg4[%select_n3A_385, %sub3A_388, %dma_start3A_389, %dma_start3A_390] : memref<2x192x224x224xf32, #tpu.memory_space<hbm>> -> memref<1x1x224x224xf32, #tpu.memory_space<hbm>>
    %dma_start3A_392 = tpu.memref_squeeze %dma_start3A_391 : memref<1x1x224x224xf32, #tpu.memory_space<hbm>> -> memref<224x224xf32, #tpu.memory_space<hbm>>
    %dma_start3A_393 = arith.constant 0 : i32
    %dma_start3A_394 = arith.constant 0 : i32
    %dma_start3A_395 = tpu.memref_slice %arg4[%select_n3A_385, %sub3A_388, %dma_start3A_393, %dma_start3A_394] : memref<2x192x224x224xf32, #tpu.memory_space<hbm>> -> memref<1x1x224x224xf32, #tpu.memory_space<hbm>>
    %dma_start3A_396 = tpu.memref_squeeze %dma_start3A_395 : memref<1x1x224x224xf32, #tpu.memory_space<hbm>> -> memref<224x224xf32, #tpu.memory_space<hbm>>
    tpu.enqueue_dma source(%arg5 : memref<224x224xf32, #tpu.memory_space<vmem>>) target(%dma_start3A_396 : memref<224x224xf32, #tpu.memory_space<hbm>>) target_semaphore(%arg9 : memref<!tpu.dma_semaphore, #tpu.memory_space<semaphore_mem>>)
    %dma_wait3A_397 = arith.constant 0 : i32
    %dma_wait3A_398 = arith.constant 0 : i32
    %dma_wait3A_399 = tpu.memref_slice %arg4[%select_n3A_385, %sub3A_388, %dma_wait3A_397, %dma_wait3A_398] : memref<2x192x224x224xf32, #tpu.memory_space<hbm>> -> memref<1x1x224x224xf32, #tpu.memory_space<hbm>>
    %dma_wait3A_400 = tpu.memref_squeeze %dma_wait3A_399 : memref<1x1x224x224xf32, #tpu.memory_space<hbm>> -> memref<224x224xf32, #tpu.memory_space<hbm>>
    %dma_wait3A_401 = arith.constant 0 : i32
    %dma_wait3A_402 = arith.constant 0 : i32
    %dma_wait3A_403 = tpu.memref_slice %arg4[%select_n3A_385, %sub3A_388, %dma_wait3A_401, %dma_wait3A_402] : memref<2x192x224x224xf32, #tpu.memory_space<hbm>> -> memref<1x1x224x224xf32, #tpu.memory_space<hbm>>
    %dma_wait3A_404 = tpu.memref_squeeze %dma_wait3A_403 : memref<1x1x224x224xf32, #tpu.memory_space<hbm>> -> memref<224x224xf32, #tpu.memory_space<hbm>>
    tpu.wait_dma2 semaphore(%arg9 : memref<!tpu.dma_semaphore, #tpu.memory_space<semaphore_mem>>) src(%arg5 : memref<224x224xf32, #tpu.memory_space<vmem>>) dst(%dma_wait3A_404 : memref<224x224xf32, #tpu.memory_space<hbm>>)
    %add3A_405 = arith.constant 8 : i32
    %add3A_406 = arith.addi %mul3A_2, %add3A_405 : i32
    %ge3A_407 = arith.constant 192 : i32
    %ge3A_408 = arith.cmpi sge, %add3A_406, %ge3A_407 : i32
    %jit3A_409 = arith.constant 1 : i32
    %jit3A_410 = arith.constant 0 : i32
    %select_n3A_411 = arith.select %ge3A_408, %jit3A_409, %jit3A_410 : i32
    %mul3A_412 = arith.constant 192 : i32
    %mul3A_413 = arith.muli %select_n3A_411, %mul3A_412 : i32
    %sub3A_414 = arith.subi %add3A_406, %mul3A_413 : i32
    %eq3A_415 = arith.constant 0 : i32
    %eq3A_416 = arith.cmpi eq, %sub3A_414, %eq3A_415 : i32
    %convert_element_type3A_417 = arith.extui %eq3A_416 : i1 to i32
    %cond3A_418 = arith.constant 0 : i32
    %cond3A_419 = arith.cmpi ne, %convert_element_type3A_417, %cond3A_418 : i32
    scf.if %cond3A_419 {
      %dma_start3A_665 = arith.constant 0 : i32
      %dma_start3A_666 = arith.constant 0 : i32
      %dma_start3A_667 = arith.constant 0 : i32
      %dma_start3A_668 = tpu.memref_slice %arg2[%select_n3A_411, %dma_start3A_665, %dma_start3A_666, %dma_start3A_667] : memref<2x192x224x224xf32, #tpu.memory_space<hbm>> -> memref<1x1x224x224xf32, #tpu.memory_space<hbm>>
      %dma_start3A_669 = tpu.memref_squeeze %dma_start3A_668 : memref<1x1x224x224xf32, #tpu.memory_space<hbm>> -> memref<224x224xf32, #tpu.memory_space<hbm>>
      %dma_start3A_670 = arith.constant 0 : i32
      %dma_start3A_671 = arith.constant 0 : i32
      %dma_start3A_672 = tpu.memref_slice %arg2[%select_n3A_411, %dma_start3A_665, %dma_start3A_670, %dma_start3A_671] : memref<2x192x224x224xf32, #tpu.memory_space<hbm>> -> memref<1x1x224x224xf32, #tpu.memory_space<hbm>>
      %dma_start3A_673 = tpu.memref_squeeze %dma_start3A_672 : memref<1x1x224x224xf32, #tpu.memory_space<hbm>> -> memref<224x224xf32, #tpu.memory_space<hbm>>
      tpu.enqueue_dma source(%dma_start3A_673 : memref<224x224xf32, #tpu.memory_space<hbm>>) target(%arg5 : memref<224x224xf32, #tpu.memory_space<vmem>>) target_semaphore(%arg7 : memref<!tpu.dma_semaphore, #tpu.memory_space<semaphore_mem>>)
    } else {
    }
    %not3A_420 = arith.constant true
    %not3A_421 = arith.xori %eq3A_416, %not3A_420 : i1
    %convert_element_type3A_422 = arith.extui %not3A_421 : i1 to i32
    %cond3A_423 = arith.constant 0 : i32
    %cond3A_424 = arith.cmpi ne, %convert_element_type3A_422, %cond3A_423 : i32
    scf.if %cond3A_424 {
      %dma_start3A_665 = arith.constant 0 : i32
      %dma_start3A_666 = arith.constant 0 : i32
      %dma_start3A_667 = tpu.memref_slice %arg3[%select_n3A_411, %sub3A_414, %dma_start3A_665, %dma_start3A_666] : memref<2x192x224x224xf32, #tpu.memory_space<hbm>> -> memref<1x1x224x224xf32, #tpu.memory_space<hbm>>
      %dma_start3A_668 = tpu.memref_squeeze %dma_start3A_667 : memref<1x1x224x224xf32, #tpu.memory_space<hbm>> -> memref<224x224xf32, #tpu.memory_space<hbm>>
      %dma_start3A_669 = arith.constant 0 : i32
      %dma_start3A_670 = arith.constant 0 : i32
      %dma_start3A_671 = tpu.memref_slice %arg3[%select_n3A_411, %sub3A_414, %dma_start3A_669, %dma_start3A_670] : memref<2x192x224x224xf32, #tpu.memory_space<hbm>> -> memref<1x1x224x224xf32, #tpu.memory_space<hbm>>
      %dma_start3A_672 = tpu.memref_squeeze %dma_start3A_671 : memref<1x1x224x224xf32, #tpu.memory_space<hbm>> -> memref<224x224xf32, #tpu.memory_space<hbm>>
      tpu.enqueue_dma source(%dma_start3A_672 : memref<224x224xf32, #tpu.memory_space<hbm>>) target(%arg5 : memref<224x224xf32, #tpu.memory_space<vmem>>) target_semaphore(%arg7 : memref<!tpu.dma_semaphore, #tpu.memory_space<semaphore_mem>>)
    } else {
    }
    %dma_wait3A_425 = arith.constant 0 : i32
    %dma_wait3A_426 = arith.constant 0 : i32
    %dma_wait3A_427 = arith.constant 0 : i32
    %dma_wait3A_428 = arith.constant 0 : i32
    %dma_wait3A_429 = tpu.memref_slice %arg3[%dma_wait3A_425, %dma_wait3A_426, %dma_wait3A_427, %dma_wait3A_428] : memref<2x192x224x224xf32, #tpu.memory_space<hbm>> -> memref<1x1x224x224xf32, #tpu.memory_space<hbm>>
    %dma_wait3A_430 = tpu.memref_squeeze %dma_wait3A_429 : memref<1x1x224x224xf32, #tpu.memory_space<hbm>> -> memref<224x224xf32, #tpu.memory_space<hbm>>
    %dma_wait3A_431 = arith.constant 0 : i32
    %dma_wait3A_432 = arith.constant 0 : i32
    %dma_wait3A_433 = tpu.memref_slice %arg3[%dma_wait3A_425, %dma_wait3A_426, %dma_wait3A_431, %dma_wait3A_432] : memref<2x192x224x224xf32, #tpu.memory_space<hbm>> -> memref<1x1x224x224xf32, #tpu.memory_space<hbm>>
    %dma_wait3A_434 = tpu.memref_squeeze %dma_wait3A_433 : memref<1x1x224x224xf32, #tpu.memory_space<hbm>> -> memref<224x224xf32, #tpu.memory_space<hbm>>
    tpu.wait_dma2 semaphore(%arg8 : memref<!tpu.dma_semaphore, #tpu.memory_space<semaphore_mem>>) src(%dma_wait3A_434 : memref<224x224xf32, #tpu.memory_space<hbm>>) dst(%arg6 : memref<224x224xf32, #tpu.memory_space<vmem>>)
    %add3A_435 = arith.constant 7 : i32
    %add3A_436 = arith.addi %mul3A_2, %add3A_435 : i32
    %ge3A_437 = arith.constant 192 : i32
    %ge3A_438 = arith.cmpi sge, %add3A_436, %ge3A_437 : i32
    %jit3A_439 = arith.constant 1 : i32
    %jit3A_440 = arith.constant 0 : i32
    %select_n3A_441 = arith.select %ge3A_438, %jit3A_439, %jit3A_440 : i32
    %mul3A_442 = arith.constant 192 : i32
    %mul3A_443 = arith.muli %select_n3A_441, %mul3A_442 : i32
    %sub3A_444 = arith.subi %add3A_436, %mul3A_443 : i32
    %dma_start3A_445 = arith.constant 0 : i32
    %dma_start3A_446 = arith.constant 0 : i32
    %dma_start3A_447 = tpu.memref_slice %arg4[%select_n3A_441, %sub3A_444, %dma_start3A_445, %dma_start3A_446] : memref<2x192x224x224xf32, #tpu.memory_space<hbm>> -> memref<1x1x224x224xf32, #tpu.memory_space<hbm>>
    %dma_start3A_448 = tpu.memref_squeeze %dma_start3A_447 : memref<1x1x224x224xf32, #tpu.memory_space<hbm>> -> memref<224x224xf32, #tpu.memory_space<hbm>>
    %dma_start3A_449 = arith.constant 0 : i32
    %dma_start3A_450 = arith.constant 0 : i32
    %dma_start3A_451 = tpu.memref_slice %arg4[%select_n3A_441, %sub3A_444, %dma_start3A_449, %dma_start3A_450] : memref<2x192x224x224xf32, #tpu.memory_space<hbm>> -> memref<1x1x224x224xf32, #tpu.memory_space<hbm>>
    %dma_start3A_452 = tpu.memref_squeeze %dma_start3A_451 : memref<1x1x224x224xf32, #tpu.memory_space<hbm>> -> memref<224x224xf32, #tpu.memory_space<hbm>>
    tpu.enqueue_dma source(%arg6 : memref<224x224xf32, #tpu.memory_space<vmem>>) target(%dma_start3A_452 : memref<224x224xf32, #tpu.memory_space<hbm>>) target_semaphore(%arg10 : memref<!tpu.dma_semaphore, #tpu.memory_space<semaphore_mem>>)
    %dma_wait3A_453 = arith.constant 0 : i32
    %dma_wait3A_454 = arith.constant 0 : i32
    %dma_wait3A_455 = tpu.memref_slice %arg4[%select_n3A_441, %sub3A_444, %dma_wait3A_453, %dma_wait3A_454] : memref<2x192x224x224xf32, #tpu.memory_space<hbm>> -> memref<1x1x224x224xf32, #tpu.memory_space<hbm>>
    %dma_wait3A_456 = tpu.memref_squeeze %dma_wait3A_455 : memref<1x1x224x224xf32, #tpu.memory_space<hbm>> -> memref<224x224xf32, #tpu.memory_space<hbm>>
    %dma_wait3A_457 = arith.constant 0 : i32
    %dma_wait3A_458 = arith.constant 0 : i32
    %dma_wait3A_459 = tpu.memref_slice %arg4[%select_n3A_441, %sub3A_444, %dma_wait3A_457, %dma_wait3A_458] : memref<2x192x224x224xf32, #tpu.memory_space<hbm>> -> memref<1x1x224x224xf32, #tpu.memory_space<hbm>>
    %dma_wait3A_460 = tpu.memref_squeeze %dma_wait3A_459 : memref<1x1x224x224xf32, #tpu.memory_space<hbm>> -> memref<224x224xf32, #tpu.memory_space<hbm>>
    tpu.wait_dma2 semaphore(%arg10 : memref<!tpu.dma_semaphore, #tpu.memory_space<semaphore_mem>>) src(%arg6 : memref<224x224xf32, #tpu.memory_space<vmem>>) dst(%dma_wait3A_460 : memref<224x224xf32, #tpu.memory_space<hbm>>)
    %add3A_461 = arith.constant 9 : i32
    %add3A_462 = arith.addi %mul3A_2, %add3A_461 : i32
    %ge3A_463 = arith.constant 192 : i32
    %ge3A_464 = arith.cmpi sge, %add3A_462, %ge3A_463 : i32
    %jit3A_465 = arith.constant 1 : i32
    %jit3A_466 = arith.constant 0 : i32
    %select_n3A_467 = arith.select %ge3A_464, %jit3A_465, %jit3A_466 : i32
    %mul3A_468 = arith.constant 192 : i32
    %mul3A_469 = arith.muli %select_n3A_467, %mul3A_468 : i32
    %sub3A_470 = arith.subi %add3A_462, %mul3A_469 : i32
    %eq3A_471 = arith.constant 0 : i32
    %eq3A_472 = arith.cmpi eq, %sub3A_470, %eq3A_471 : i32
    %convert_element_type3A_473 = arith.extui %eq3A_472 : i1 to i32
    %cond3A_474 = arith.constant 0 : i32
    %cond3A_475 = arith.cmpi ne, %convert_element_type3A_473, %cond3A_474 : i32
    scf.if %cond3A_475 {
      %dma_start3A_665 = arith.constant 0 : i32
      %dma_start3A_666 = arith.constant 0 : i32
      %dma_start3A_667 = arith.constant 0 : i32
      %dma_start3A_668 = tpu.memref_slice %arg2[%select_n3A_467, %dma_start3A_665, %dma_start3A_666, %dma_start3A_667] : memref<2x192x224x224xf32, #tpu.memory_space<hbm>> -> memref<1x1x224x224xf32, #tpu.memory_space<hbm>>
      %dma_start3A_669 = tpu.memref_squeeze %dma_start3A_668 : memref<1x1x224x224xf32, #tpu.memory_space<hbm>> -> memref<224x224xf32, #tpu.memory_space<hbm>>
      %dma_start3A_670 = arith.constant 0 : i32
      %dma_start3A_671 = arith.constant 0 : i32
      %dma_start3A_672 = tpu.memref_slice %arg2[%select_n3A_467, %dma_start3A_665, %dma_start3A_670, %dma_start3A_671] : memref<2x192x224x224xf32, #tpu.memory_space<hbm>> -> memref<1x1x224x224xf32, #tpu.memory_space<hbm>>
      %dma_start3A_673 = tpu.memref_squeeze %dma_start3A_672 : memref<1x1x224x224xf32, #tpu.memory_space<hbm>> -> memref<224x224xf32, #tpu.memory_space<hbm>>
      tpu.enqueue_dma source(%dma_start3A_673 : memref<224x224xf32, #tpu.memory_space<hbm>>) target(%arg6 : memref<224x224xf32, #tpu.memory_space<vmem>>) target_semaphore(%arg8 : memref<!tpu.dma_semaphore, #tpu.memory_space<semaphore_mem>>)
    } else {
    }
    %not3A_476 = arith.constant true
    %not3A_477 = arith.xori %eq3A_472, %not3A_476 : i1
    %convert_element_type3A_478 = arith.extui %not3A_477 : i1 to i32
    %cond3A_479 = arith.constant 0 : i32
    %cond3A_480 = arith.cmpi ne, %convert_element_type3A_478, %cond3A_479 : i32
    scf.if %cond3A_480 {
      %dma_start3A_665 = arith.constant 0 : i32
      %dma_start3A_666 = arith.constant 0 : i32
      %dma_start3A_667 = tpu.memref_slice %arg3[%select_n3A_467, %sub3A_470, %dma_start3A_665, %dma_start3A_666] : memref<2x192x224x224xf32, #tpu.memory_space<hbm>> -> memref<1x1x224x224xf32, #tpu.memory_space<hbm>>
      %dma_start3A_668 = tpu.memref_squeeze %dma_start3A_667 : memref<1x1x224x224xf32, #tpu.memory_space<hbm>> -> memref<224x224xf32, #tpu.memory_space<hbm>>
      %dma_start3A_669 = arith.constant 0 : i32
      %dma_start3A_670 = arith.constant 0 : i32
      %dma_start3A_671 = tpu.memref_slice %arg3[%select_n3A_467, %sub3A_470, %dma_start3A_669, %dma_start3A_670] : memref<2x192x224x224xf32, #tpu.memory_space<hbm>> -> memref<1x1x224x224xf32, #tpu.memory_space<hbm>>
      %dma_start3A_672 = tpu.memref_squeeze %dma_start3A_671 : memref<1x1x224x224xf32, #tpu.memory_space<hbm>> -> memref<224x224xf32, #tpu.memory_space<hbm>>
      tpu.enqueue_dma source(%dma_start3A_672 : memref<224x224xf32, #tpu.memory_space<hbm>>) target(%arg6 : memref<224x224xf32, #tpu.memory_space<vmem>>) target_semaphore(%arg8 : memref<!tpu.dma_semaphore, #tpu.memory_space<semaphore_mem>>)
    } else {
    }
    %dma_wait3A_481 = arith.constant 0 : i32
    %dma_wait3A_482 = arith.constant 0 : i32
    %dma_wait3A_483 = arith.constant 0 : i32
    %dma_wait3A_484 = arith.constant 0 : i32
    %dma_wait3A_485 = tpu.memref_slice %arg3[%dma_wait3A_481, %dma_wait3A_482, %dma_wait3A_483, %dma_wait3A_484] : memref<2x192x224x224xf32, #tpu.memory_space<hbm>> -> memref<1x1x224x224xf32, #tpu.memory_space<hbm>>
    %dma_wait3A_486 = tpu.memref_squeeze %dma_wait3A_485 : memref<1x1x224x224xf32, #tpu.memory_space<hbm>> -> memref<224x224xf32, #tpu.memory_space<hbm>>
    %dma_wait3A_487 = arith.constant 0 : i32
    %dma_wait3A_488 = arith.constant 0 : i32
    %dma_wait3A_489 = tpu.memref_slice %arg3[%dma_wait3A_481, %dma_wait3A_482, %dma_wait3A_487, %dma_wait3A_488] : memref<2x192x224x224xf32, #tpu.memory_space<hbm>> -> memref<1x1x224x224xf32, #tpu.memory_space<hbm>>
    %dma_wait3A_490 = tpu.memref_squeeze %dma_wait3A_489 : memref<1x1x224x224xf32, #tpu.memory_space<hbm>> -> memref<224x224xf32, #tpu.memory_space<hbm>>
    tpu.wait_dma2 semaphore(%arg7 : memref<!tpu.dma_semaphore, #tpu.memory_space<semaphore_mem>>) src(%dma_wait3A_490 : memref<224x224xf32, #tpu.memory_space<hbm>>) dst(%arg5 : memref<224x224xf32, #tpu.memory_space<vmem>>)
    %add3A_491 = arith.constant 8 : i32
    %add3A_492 = arith.addi %mul3A_2, %add3A_491 : i32
    %ge3A_493 = arith.constant 192 : i32
    %ge3A_494 = arith.cmpi sge, %add3A_492, %ge3A_493 : i32
    %jit3A_495 = arith.constant 1 : i32
    %jit3A_496 = arith.constant 0 : i32
    %select_n3A_497 = arith.select %ge3A_494, %jit3A_495, %jit3A_496 : i32
    %mul3A_498 = arith.constant 192 : i32
    %mul3A_499 = arith.muli %select_n3A_497, %mul3A_498 : i32
    %sub3A_500 = arith.subi %add3A_492, %mul3A_499 : i32
    %dma_start3A_501 = arith.constant 0 : i32
    %dma_start3A_502 = arith.constant 0 : i32
    %dma_start3A_503 = tpu.memref_slice %arg4[%select_n3A_497, %sub3A_500, %dma_start3A_501, %dma_start3A_502] : memref<2x192x224x224xf32, #tpu.memory_space<hbm>> -> memref<1x1x224x224xf32, #tpu.memory_space<hbm>>
    %dma_start3A_504 = tpu.memref_squeeze %dma_start3A_503 : memref<1x1x224x224xf32, #tpu.memory_space<hbm>> -> memref<224x224xf32, #tpu.memory_space<hbm>>
    %dma_start3A_505 = arith.constant 0 : i32
    %dma_start3A_506 = arith.constant 0 : i32
    %dma_start3A_507 = tpu.memref_slice %arg4[%select_n3A_497, %sub3A_500, %dma_start3A_505, %dma_start3A_506] : memref<2x192x224x224xf32, #tpu.memory_space<hbm>> -> memref<1x1x224x224xf32, #tpu.memory_space<hbm>>
    %dma_start3A_508 = tpu.memref_squeeze %dma_start3A_507 : memref<1x1x224x224xf32, #tpu.memory_space<hbm>> -> memref<224x224xf32, #tpu.memory_space<hbm>>
    tpu.enqueue_dma source(%arg5 : memref<224x224xf32, #tpu.memory_space<vmem>>) target(%dma_start3A_508 : memref<224x224xf32, #tpu.memory_space<hbm>>) target_semaphore(%arg9 : memref<!tpu.dma_semaphore, #tpu.memory_space<semaphore_mem>>)
    %dma_wait3A_509 = arith.constant 0 : i32
    %dma_wait3A_510 = arith.constant 0 : i32
    %dma_wait3A_511 = tpu.memref_slice %arg4[%select_n3A_497, %sub3A_500, %dma_wait3A_509, %dma_wait3A_510] : memref<2x192x224x224xf32, #tpu.memory_space<hbm>> -> memref<1x1x224x224xf32, #tpu.memory_space<hbm>>
    %dma_wait3A_512 = tpu.memref_squeeze %dma_wait3A_511 : memref<1x1x224x224xf32, #tpu.memory_space<hbm>> -> memref<224x224xf32, #tpu.memory_space<hbm>>
    %dma_wait3A_513 = arith.constant 0 : i32
    %dma_wait3A_514 = arith.constant 0 : i32
    %dma_wait3A_515 = tpu.memref_slice %arg4[%select_n3A_497, %sub3A_500, %dma_wait3A_513, %dma_wait3A_514] : memref<2x192x224x224xf32, #tpu.memory_space<hbm>> -> memref<1x1x224x224xf32, #tpu.memory_space<hbm>>
    %dma_wait3A_516 = tpu.memref_squeeze %dma_wait3A_515 : memref<1x1x224x224xf32, #tpu.memory_space<hbm>> -> memref<224x224xf32, #tpu.memory_space<hbm>>
    tpu.wait_dma2 semaphore(%arg9 : memref<!tpu.dma_semaphore, #tpu.memory_space<semaphore_mem>>) src(%arg5 : memref<224x224xf32, #tpu.memory_space<vmem>>) dst(%dma_wait3A_516 : memref<224x224xf32, #tpu.memory_space<hbm>>)
    %add3A_517 = arith.constant 10 : i32
    %add3A_518 = arith.addi %mul3A_2, %add3A_517 : i32
    %ge3A_519 = arith.constant 192 : i32
    %ge3A_520 = arith.cmpi sge, %add3A_518, %ge3A_519 : i32
    %jit3A_521 = arith.constant 1 : i32
    %jit3A_522 = arith.constant 0 : i32
    %select_n3A_523 = arith.select %ge3A_520, %jit3A_521, %jit3A_522 : i32
    %mul3A_524 = arith.constant 192 : i32
    %mul3A_525 = arith.muli %select_n3A_523, %mul3A_524 : i32
    %sub3A_526 = arith.subi %add3A_518, %mul3A_525 : i32
    %eq3A_527 = arith.constant 0 : i32
    %eq3A_528 = arith.cmpi eq, %sub3A_526, %eq3A_527 : i32
    %convert_element_type3A_529 = arith.extui %eq3A_528 : i1 to i32
    %cond3A_530 = arith.constant 0 : i32
    %cond3A_531 = arith.cmpi ne, %convert_element_type3A_529, %cond3A_530 : i32
    scf.if %cond3A_531 {
      %dma_start3A_665 = arith.constant 0 : i32
      %dma_start3A_666 = arith.constant 0 : i32
      %dma_start3A_667 = arith.constant 0 : i32
      %dma_start3A_668 = tpu.memref_slice %arg2[%select_n3A_523, %dma_start3A_665, %dma_start3A_666, %dma_start3A_667] : memref<2x192x224x224xf32, #tpu.memory_space<hbm>> -> memref<1x1x224x224xf32, #tpu.memory_space<hbm>>
      %dma_start3A_669 = tpu.memref_squeeze %dma_start3A_668 : memref<1x1x224x224xf32, #tpu.memory_space<hbm>> -> memref<224x224xf32, #tpu.memory_space<hbm>>
      %dma_start3A_670 = arith.constant 0 : i32
      %dma_start3A_671 = arith.constant 0 : i32
      %dma_start3A_672 = tpu.memref_slice %arg2[%select_n3A_523, %dma_start3A_665, %dma_start3A_670, %dma_start3A_671] : memref<2x192x224x224xf32, #tpu.memory_space<hbm>> -> memref<1x1x224x224xf32, #tpu.memory_space<hbm>>
      %dma_start3A_673 = tpu.memref_squeeze %dma_start3A_672 : memref<1x1x224x224xf32, #tpu.memory_space<hbm>> -> memref<224x224xf32, #tpu.memory_space<hbm>>
      tpu.enqueue_dma source(%dma_start3A_673 : memref<224x224xf32, #tpu.memory_space<hbm>>) target(%arg5 : memref<224x224xf32, #tpu.memory_space<vmem>>) target_semaphore(%arg7 : memref<!tpu.dma_semaphore, #tpu.memory_space<semaphore_mem>>)
    } else {
    }
    %not3A_532 = arith.constant true
    %not3A_533 = arith.xori %eq3A_528, %not3A_532 : i1
    %convert_element_type3A_534 = arith.extui %not3A_533 : i1 to i32
    %cond3A_535 = arith.constant 0 : i32
    %cond3A_536 = arith.cmpi ne, %convert_element_type3A_534, %cond3A_535 : i32
    scf.if %cond3A_536 {
      %dma_start3A_665 = arith.constant 0 : i32
      %dma_start3A_666 = arith.constant 0 : i32
      %dma_start3A_667 = tpu.memref_slice %arg3[%select_n3A_523, %sub3A_526, %dma_start3A_665, %dma_start3A_666] : memref<2x192x224x224xf32, #tpu.memory_space<hbm>> -> memref<1x1x224x224xf32, #tpu.memory_space<hbm>>
      %dma_start3A_668 = tpu.memref_squeeze %dma_start3A_667 : memref<1x1x224x224xf32, #tpu.memory_space<hbm>> -> memref<224x224xf32, #tpu.memory_space<hbm>>
      %dma_start3A_669 = arith.constant 0 : i32
      %dma_start3A_670 = arith.constant 0 : i32
      %dma_start3A_671 = tpu.memref_slice %arg3[%select_n3A_523, %sub3A_526, %dma_start3A_669, %dma_start3A_670] : memref<2x192x224x224xf32, #tpu.memory_space<hbm>> -> memref<1x1x224x224xf32, #tpu.memory_space<hbm>>
      %dma_start3A_672 = tpu.memref_squeeze %dma_start3A_671 : memref<1x1x224x224xf32, #tpu.memory_space<hbm>> -> memref<224x224xf32, #tpu.memory_space<hbm>>
      tpu.enqueue_dma source(%dma_start3A_672 : memref<224x224xf32, #tpu.memory_space<hbm>>) target(%arg5 : memref<224x224xf32, #tpu.memory_space<vmem>>) target_semaphore(%arg7 : memref<!tpu.dma_semaphore, #tpu.memory_space<semaphore_mem>>)
    } else {
    }
    %dma_wait3A_537 = arith.constant 0 : i32
    %dma_wait3A_538 = arith.constant 0 : i32
    %dma_wait3A_539 = arith.constant 0 : i32
    %dma_wait3A_540 = arith.constant 0 : i32
    %dma_wait3A_541 = tpu.memref_slice %arg3[%dma_wait3A_537, %dma_wait3A_538, %dma_wait3A_539, %dma_wait3A_540] : memref<2x192x224x224xf32, #tpu.memory_space<hbm>> -> memref<1x1x224x224xf32, #tpu.memory_space<hbm>>
    %dma_wait3A_542 = tpu.memref_squeeze %dma_wait3A_541 : memref<1x1x224x224xf32, #tpu.memory_space<hbm>> -> memref<224x224xf32, #tpu.memory_space<hbm>>
    %dma_wait3A_543 = arith.constant 0 : i32
    %dma_wait3A_544 = arith.constant 0 : i32
    %dma_wait3A_545 = tpu.memref_slice %arg3[%dma_wait3A_537, %dma_wait3A_538, %dma_wait3A_543, %dma_wait3A_544] : memref<2x192x224x224xf32, #tpu.memory_space<hbm>> -> memref<1x1x224x224xf32, #tpu.memory_space<hbm>>
    %dma_wait3A_546 = tpu.memref_squeeze %dma_wait3A_545 : memref<1x1x224x224xf32, #tpu.memory_space<hbm>> -> memref<224x224xf32, #tpu.memory_space<hbm>>
    tpu.wait_dma2 semaphore(%arg8 : memref<!tpu.dma_semaphore, #tpu.memory_space<semaphore_mem>>) src(%dma_wait3A_546 : memref<224x224xf32, #tpu.memory_space<hbm>>) dst(%arg6 : memref<224x224xf32, #tpu.memory_space<vmem>>)
    %add3A_547 = arith.constant 9 : i32
    %add3A_548 = arith.addi %mul3A_2, %add3A_547 : i32
    %ge3A_549 = arith.constant 192 : i32
    %ge3A_550 = arith.cmpi sge, %add3A_548, %ge3A_549 : i32
    %jit3A_551 = arith.constant 1 : i32
    %jit3A_552 = arith.constant 0 : i32
    %select_n3A_553 = arith.select %ge3A_550, %jit3A_551, %jit3A_552 : i32
    %mul3A_554 = arith.constant 192 : i32
    %mul3A_555 = arith.muli %select_n3A_553, %mul3A_554 : i32
    %sub3A_556 = arith.subi %add3A_548, %mul3A_555 : i32
    %dma_start3A_557 = arith.constant 0 : i32
    %dma_start3A_558 = arith.constant 0 : i32
    %dma_start3A_559 = tpu.memref_slice %arg4[%select_n3A_553, %sub3A_556, %dma_start3A_557, %dma_start3A_558] : memref<2x192x224x224xf32, #tpu.memory_space<hbm>> -> memref<1x1x224x224xf32, #tpu.memory_space<hbm>>
    %dma_start3A_560 = tpu.memref_squeeze %dma_start3A_559 : memref<1x1x224x224xf32, #tpu.memory_space<hbm>> -> memref<224x224xf32, #tpu.memory_space<hbm>>
    %dma_start3A_561 = arith.constant 0 : i32
    %dma_start3A_562 = arith.constant 0 : i32
    %dma_start3A_563 = tpu.memref_slice %arg4[%select_n3A_553, %sub3A_556, %dma_start3A_561, %dma_start3A_562] : memref<2x192x224x224xf32, #tpu.memory_space<hbm>> -> memref<1x1x224x224xf32, #tpu.memory_space<hbm>>
    %dma_start3A_564 = tpu.memref_squeeze %dma_start3A_563 : memref<1x1x224x224xf32, #tpu.memory_space<hbm>> -> memref<224x224xf32, #tpu.memory_space<hbm>>
    tpu.enqueue_dma source(%arg6 : memref<224x224xf32, #tpu.memory_space<vmem>>) target(%dma_start3A_564 : memref<224x224xf32, #tpu.memory_space<hbm>>) target_semaphore(%arg10 : memref<!tpu.dma_semaphore, #tpu.memory_space<semaphore_mem>>)
    %dma_wait3A_565 = arith.constant 0 : i32
    %dma_wait3A_566 = arith.constant 0 : i32
    %dma_wait3A_567 = tpu.memref_slice %arg4[%select_n3A_553, %sub3A_556, %dma_wait3A_565, %dma_wait3A_566] : memref<2x192x224x224xf32, #tpu.memory_space<hbm>> -> memref<1x1x224x224xf32, #tpu.memory_space<hbm>>
    %dma_wait3A_568 = tpu.memref_squeeze %dma_wait3A_567 : memref<1x1x224x224xf32, #tpu.memory_space<hbm>> -> memref<224x224xf32, #tpu.memory_space<hbm>>
    %dma_wait3A_569 = arith.constant 0 : i32
    %dma_wait3A_570 = arith.constant 0 : i32
    %dma_wait3A_571 = tpu.memref_slice %arg4[%select_n3A_553, %sub3A_556, %dma_wait3A_569, %dma_wait3A_570] : memref<2x192x224x224xf32, #tpu.memory_space<hbm>> -> memref<1x1x224x224xf32, #tpu.memory_space<hbm>>
    %dma_wait3A_572 = tpu.memref_squeeze %dma_wait3A_571 : memref<1x1x224x224xf32, #tpu.memory_space<hbm>> -> memref<224x224xf32, #tpu.memory_space<hbm>>
    tpu.wait_dma2 semaphore(%arg10 : memref<!tpu.dma_semaphore, #tpu.memory_space<semaphore_mem>>) src(%arg6 : memref<224x224xf32, #tpu.memory_space<vmem>>) dst(%dma_wait3A_572 : memref<224x224xf32, #tpu.memory_space<hbm>>)
    %add3A_573 = arith.constant 11 : i32
    %add3A_574 = arith.addi %mul3A_2, %add3A_573 : i32
    %ge3A_575 = arith.constant 192 : i32
    %ge3A_576 = arith.cmpi sge, %add3A_574, %ge3A_575 : i32
    %jit3A_577 = arith.constant 1 : i32
    %jit3A_578 = arith.constant 0 : i32
    %select_n3A_579 = arith.select %ge3A_576, %jit3A_577, %jit3A_578 : i32
    %mul3A_580 = arith.constant 192 : i32
    %mul3A_581 = arith.muli %select_n3A_579, %mul3A_580 : i32
    %sub3A_582 = arith.subi %add3A_574, %mul3A_581 : i32
    %eq3A_583 = arith.constant 0 : i32
    %eq3A_584 = arith.cmpi eq, %sub3A_582, %eq3A_583 : i32
    %convert_element_type3A_585 = arith.extui %eq3A_584 : i1 to i32
    %cond3A_586 = arith.constant 0 : i32
    %cond3A_587 = arith.cmpi ne, %convert_element_type3A_585, %cond3A_586 : i32
    scf.if %cond3A_587 {
      %dma_start3A_665 = arith.constant 0 : i32
      %dma_start3A_666 = arith.constant 0 : i32
      %dma_start3A_667 = arith.constant 0 : i32
      %dma_start3A_668 = tpu.memref_slice %arg2[%select_n3A_579, %dma_start3A_665, %dma_start3A_666, %dma_start3A_667] : memref<2x192x224x224xf32, #tpu.memory_space<hbm>> -> memref<1x1x224x224xf32, #tpu.memory_space<hbm>>
      %dma_start3A_669 = tpu.memref_squeeze %dma_start3A_668 : memref<1x1x224x224xf32, #tpu.memory_space<hbm>> -> memref<224x224xf32, #tpu.memory_space<hbm>>
      %dma_start3A_670 = arith.constant 0 : i32
      %dma_start3A_671 = arith.constant 0 : i32
      %dma_start3A_672 = tpu.memref_slice %arg2[%select_n3A_579, %dma_start3A_665, %dma_start3A_670, %dma_start3A_671] : memref<2x192x224x224xf32, #tpu.memory_space<hbm>> -> memref<1x1x224x224xf32, #tpu.memory_space<hbm>>
      %dma_start3A_673 = tpu.memref_squeeze %dma_start3A_672 : memref<1x1x224x224xf32, #tpu.memory_space<hbm>> -> memref<224x224xf32, #tpu.memory_space<hbm>>
      tpu.enqueue_dma source(%dma_start3A_673 : memref<224x224xf32, #tpu.memory_space<hbm>>) target(%arg6 : memref<224x224xf32, #tpu.memory_space<vmem>>) target_semaphore(%arg8 : memref<!tpu.dma_semaphore, #tpu.memory_space<semaphore_mem>>)
    } else {
    }
    %not3A_588 = arith.constant true
    %not3A_589 = arith.xori %eq3A_584, %not3A_588 : i1
    %convert_element_type3A_590 = arith.extui %not3A_589 : i1 to i32
    %cond3A_591 = arith.constant 0 : i32
    %cond3A_592 = arith.cmpi ne, %convert_element_type3A_590, %cond3A_591 : i32
    scf.if %cond3A_592 {
      %dma_start3A_665 = arith.constant 0 : i32
      %dma_start3A_666 = arith.constant 0 : i32
      %dma_start3A_667 = tpu.memref_slice %arg3[%select_n3A_579, %sub3A_582, %dma_start3A_665, %dma_start3A_666] : memref<2x192x224x224xf32, #tpu.memory_space<hbm>> -> memref<1x1x224x224xf32, #tpu.memory_space<hbm>>
      %dma_start3A_668 = tpu.memref_squeeze %dma_start3A_667 : memref<1x1x224x224xf32, #tpu.memory_space<hbm>> -> memref<224x224xf32, #tpu.memory_space<hbm>>
      %dma_start3A_669 = arith.constant 0 : i32
      %dma_start3A_670 = arith.constant 0 : i32
      %dma_start3A_671 = tpu.memref_slice %arg3[%select_n3A_579, %sub3A_582, %dma_start3A_669, %dma_start3A_670] : memref<2x192x224x224xf32, #tpu.memory_space<hbm>> -> memref<1x1x224x224xf32, #tpu.memory_space<hbm>>
      %dma_start3A_672 = tpu.memref_squeeze %dma_start3A_671 : memref<1x1x224x224xf32, #tpu.memory_space<hbm>> -> memref<224x224xf32, #tpu.memory_space<hbm>>
      tpu.enqueue_dma source(%dma_start3A_672 : memref<224x224xf32, #tpu.memory_space<hbm>>) target(%arg6 : memref<224x224xf32, #tpu.memory_space<vmem>>) target_semaphore(%arg8 : memref<!tpu.dma_semaphore, #tpu.memory_space<semaphore_mem>>)
    } else {
    }
    %dma_wait3A_593 = arith.constant 0 : i32
    %dma_wait3A_594 = arith.constant 0 : i32
    %dma_wait3A_595 = arith.constant 0 : i32
    %dma_wait3A_596 = arith.constant 0 : i32
    %dma_wait3A_597 = tpu.memref_slice %arg3[%dma_wait3A_593, %dma_wait3A_594, %dma_wait3A_595, %dma_wait3A_596] : memref<2x192x224x224xf32, #tpu.memory_space<hbm>> -> memref<1x1x224x224xf32, #tpu.memory_space<hbm>>
    %dma_wait3A_598 = tpu.memref_squeeze %dma_wait3A_597 : memref<1x1x224x224xf32, #tpu.memory_space<hbm>> -> memref<224x224xf32, #tpu.memory_space<hbm>>
    %dma_wait3A_599 = arith.constant 0 : i32
    %dma_wait3A_600 = arith.constant 0 : i32
    %dma_wait3A_601 = tpu.memref_slice %arg3[%dma_wait3A_593, %dma_wait3A_594, %dma_wait3A_599, %dma_wait3A_600] : memref<2x192x224x224xf32, #tpu.memory_space<hbm>> -> memref<1x1x224x224xf32, #tpu.memory_space<hbm>>
    %dma_wait3A_602 = tpu.memref_squeeze %dma_wait3A_601 : memref<1x1x224x224xf32, #tpu.memory_space<hbm>> -> memref<224x224xf32, #tpu.memory_space<hbm>>
    tpu.wait_dma2 semaphore(%arg7 : memref<!tpu.dma_semaphore, #tpu.memory_space<semaphore_mem>>) src(%dma_wait3A_602 : memref<224x224xf32, #tpu.memory_space<hbm>>) dst(%arg5 : memref<224x224xf32, #tpu.memory_space<vmem>>)
    %add3A_603 = arith.constant 10 : i32
    %add3A_604 = arith.addi %mul3A_2, %add3A_603 : i32
    %ge3A_605 = arith.constant 192 : i32
    %ge3A_606 = arith.cmpi sge, %add3A_604, %ge3A_605 : i32
    %jit3A_607 = arith.constant 1 : i32
    %jit3A_608 = arith.constant 0 : i32
    %select_n3A_609 = arith.select %ge3A_606, %jit3A_607, %jit3A_608 : i32
    %mul3A_610 = arith.constant 192 : i32
    %mul3A_611 = arith.muli %select_n3A_609, %mul3A_610 : i32
    %sub3A_612 = arith.subi %add3A_604, %mul3A_611 : i32
    %dma_start3A_613 = arith.constant 0 : i32
    %dma_start3A_614 = arith.constant 0 : i32
    %dma_start3A_615 = tpu.memref_slice %arg4[%select_n3A_609, %sub3A_612, %dma_start3A_613, %dma_start3A_614] : memref<2x192x224x224xf32, #tpu.memory_space<hbm>> -> memref<1x1x224x224xf32, #tpu.memory_space<hbm>>
    %dma_start3A_616 = tpu.memref_squeeze %dma_start3A_615 : memref<1x1x224x224xf32, #tpu.memory_space<hbm>> -> memref<224x224xf32, #tpu.memory_space<hbm>>
    %dma_start3A_617 = arith.constant 0 : i32
    %dma_start3A_618 = arith.constant 0 : i32
    %dma_start3A_619 = tpu.memref_slice %arg4[%select_n3A_609, %sub3A_612, %dma_start3A_617, %dma_start3A_618] : memref<2x192x224x224xf32, #tpu.memory_space<hbm>> -> memref<1x1x224x224xf32, #tpu.memory_space<hbm>>
    %dma_start3A_620 = tpu.memref_squeeze %dma_start3A_619 : memref<1x1x224x224xf32, #tpu.memory_space<hbm>> -> memref<224x224xf32, #tpu.memory_space<hbm>>
    tpu.enqueue_dma source(%arg5 : memref<224x224xf32, #tpu.memory_space<vmem>>) target(%dma_start3A_620 : memref<224x224xf32, #tpu.memory_space<hbm>>) target_semaphore(%arg9 : memref<!tpu.dma_semaphore, #tpu.memory_space<semaphore_mem>>)
    %dma_wait3A_621 = arith.constant 0 : i32
    %dma_wait3A_622 = arith.constant 0 : i32
    %dma_wait3A_623 = arith.constant 0 : i32
    %dma_wait3A_624 = arith.constant 0 : i32
    %dma_wait3A_625 = tpu.memref_slice %arg3[%dma_wait3A_621, %dma_wait3A_622, %dma_wait3A_623, %dma_wait3A_624] : memref<2x192x224x224xf32, #tpu.memory_space<hbm>> -> memref<1x1x224x224xf32, #tpu.memory_space<hbm>>
    %dma_wait3A_626 = tpu.memref_squeeze %dma_wait3A_625 : memref<1x1x224x224xf32, #tpu.memory_space<hbm>> -> memref<224x224xf32, #tpu.memory_space<hbm>>
    %dma_wait3A_627 = arith.constant 0 : i32
    %dma_wait3A_628 = arith.constant 0 : i32
    %dma_wait3A_629 = tpu.memref_slice %arg3[%dma_wait3A_621, %dma_wait3A_622, %dma_wait3A_627, %dma_wait3A_628] : memref<2x192x224x224xf32, #tpu.memory_space<hbm>> -> memref<1x1x224x224xf32, #tpu.memory_space<hbm>>
    %dma_wait3A_630 = tpu.memref_squeeze %dma_wait3A_629 : memref<1x1x224x224xf32, #tpu.memory_space<hbm>> -> memref<224x224xf32, #tpu.memory_space<hbm>>
    tpu.wait_dma2 semaphore(%arg8 : memref<!tpu.dma_semaphore, #tpu.memory_space<semaphore_mem>>) src(%dma_wait3A_630 : memref<224x224xf32, #tpu.memory_space<hbm>>) dst(%arg6 : memref<224x224xf32, #tpu.memory_space<vmem>>)
    %add3A_631 = arith.constant 11 : i32
    %add3A_632 = arith.addi %mul3A_2, %add3A_631 : i32
    %ge3A_633 = arith.constant 192 : i32
    %ge3A_634 = arith.cmpi sge, %add3A_632, %ge3A_633 : i32
    %jit3A_635 = arith.constant 1 : i32
    %jit3A_636 = arith.constant 0 : i32
    %select_n3A_637 = arith.select %ge3A_634, %jit3A_635, %jit3A_636 : i32
    %mul3A_638 = arith.constant 192 : i32
    %mul3A_639 = arith.muli %select_n3A_637, %mul3A_638 : i32
    %sub3A_640 = arith.subi %add3A_632, %mul3A_639 : i32
    %dma_start3A_641 = arith.constant 0 : i32
    %dma_start3A_642 = arith.constant 0 : i32
    %dma_start3A_643 = tpu.memref_slice %arg4[%select_n3A_637, %sub3A_640, %dma_start3A_641, %dma_start3A_642] : memref<2x192x224x224xf32, #tpu.memory_space<hbm>> -> memref<1x1x224x224xf32, #tpu.memory_space<hbm>>
    %dma_start3A_644 = tpu.memref_squeeze %dma_start3A_643 : memref<1x1x224x224xf32, #tpu.memory_space<hbm>> -> memref<224x224xf32, #tpu.memory_space<hbm>>
    %dma_start3A_645 = arith.constant 0 : i32
    %dma_start3A_646 = arith.constant 0 : i32
    %dma_start3A_647 = tpu.memref_slice %arg4[%select_n3A_637, %sub3A_640, %dma_start3A_645, %dma_start3A_646] : memref<2x192x224x224xf32, #tpu.memory_space<hbm>> -> memref<1x1x224x224xf32, #tpu.memory_space<hbm>>
    %dma_start3A_648 = tpu.memref_squeeze %dma_start3A_647 : memref<1x1x224x224xf32, #tpu.memory_space<hbm>> -> memref<224x224xf32, #tpu.memory_space<hbm>>
    tpu.enqueue_dma source(%arg6 : memref<224x224xf32, #tpu.memory_space<vmem>>) target(%dma_start3A_648 : memref<224x224xf32, #tpu.memory_space<hbm>>) target_semaphore(%arg10 : memref<!tpu.dma_semaphore, #tpu.memory_space<semaphore_mem>>)
    %dma_wait3A_649 = arith.constant 0 : i32
    %dma_wait3A_650 = arith.constant 0 : i32
    %dma_wait3A_651 = tpu.memref_slice %arg4[%select_n3A_609, %sub3A_612, %dma_wait3A_649, %dma_wait3A_650] : memref<2x192x224x224xf32, #tpu.memory_space<hbm>> -> memref<1x1x224x224xf32, #tpu.memory_space<hbm>>
    %dma_wait3A_652 = tpu.memref_squeeze %dma_wait3A_651 : memref<1x1x224x224xf32, #tpu.memory_space<hbm>> -> memref<224x224xf32, #tpu.memory_space<hbm>>
    %dma_wait3A_653 = arith.constant 0 : i32
    %dma_wait3A_654 = arith.constant 0 : i32
    %dma_wait3A_655 = tpu.memref_slice %arg4[%select_n3A_609, %sub3A_612, %dma_wait3A_653, %dma_wait3A_654] : memref<2x192x224x224xf32, #tpu.memory_space<hbm>> -> memref<1x1x224x224xf32, #tpu.memory_space<hbm>>
    %dma_wait3A_656 = tpu.memref_squeeze %dma_wait3A_655 : memref<1x1x224x224xf32, #tpu.memory_space<hbm>> -> memref<224x224xf32, #tpu.memory_space<hbm>>
    tpu.wait_dma2 semaphore(%arg9 : memref<!tpu.dma_semaphore, #tpu.memory_space<semaphore_mem>>) src(%arg5 : memref<224x224xf32, #tpu.memory_space<vmem>>) dst(%dma_wait3A_656 : memref<224x224xf32, #tpu.memory_space<hbm>>)
    %dma_wait3A_657 = arith.constant 0 : i32
    %dma_wait3A_658 = arith.constant 0 : i32
    %dma_wait3A_659 = tpu.memref_slice %arg4[%select_n3A_637, %sub3A_640, %dma_wait3A_657, %dma_wait3A_658] : memref<2x192x224x224xf32, #tpu.memory_space<hbm>> -> memref<1x1x224x224xf32, #tpu.memory_space<hbm>>
    %dma_wait3A_660 = tpu.memref_squeeze %dma_wait3A_659 : memref<1x1x224x224xf32, #tpu.memory_space<hbm>> -> memref<224x224xf32, #tpu.memory_space<hbm>>
    %dma_wait3A_661 = arith.constant 0 : i32
    %dma_wait3A_662 = arith.constant 0 : i32
    %dma_wait3A_663 = tpu.memref_slice %arg4[%select_n3A_637, %sub3A_640, %dma_wait3A_661, %dma_wait3A_662] : memref<2x192x224x224xf32, #tpu.memory_space<hbm>> -> memref<1x1x224x224xf32, #tpu.memory_space<hbm>>
    %dma_wait3A_664 = tpu.memref_squeeze %dma_wait3A_663 : memref<1x1x224x224xf32, #tpu.memory_space<hbm>> -> memref<224x224xf32, #tpu.memory_space<hbm>>
    tpu.wait_dma2 semaphore(%arg10 : memref<!tpu.dma_semaphore, #tpu.memory_space<semaphore_mem>>) src(%arg6 : memref<224x224xf32, #tpu.memory_space<vmem>>) dst(%dma_wait3A_664 : memref<224x224xf32, #tpu.memory_space<hbm>>)
    return
  }
}

module attributes {stable_mosaic.version = 14 : i64} {
  func.func @_tc_convert_body(%arg0: i32, %arg1: i32, %arg2: i32, %arg3: memref<1x56x224x128xf32, #tpu.memory_space<vmem>>, %arg4: memref<1x128x56x224xf32, #tpu.memory_space<vmem>>) attributes {dimension_semantics = [#tpu.dimension_semantics<parallel>, #tpu.dimension_semantics<parallel>, #tpu.dimension_semantics<parallel>], iteration_bounds = array<i64: 2, 4, 2>, scalar_prefetch = 0 : i64, scratch_operands = 0 : i64, tpu.core_type = #tpu.core_type<tc>, window_params = [{transform_indices = @transform_0, window_bounds = array<i64: 1, 56, 224, 128>}, {transform_indices = @transform_1, window_bounds = array<i64: 1, 128, 56, 224>}]} {
    %get3A = arith.constant 0 : index
    %get3A_0 = arith.constant 0 : index
    %get3A_1 = arith.constant 0 : index
    %get3A_2 = arith.constant 0 : index
    %get3A_3 = vector.load %arg3[%get3A, %get3A_0, %get3A_1, %get3A_2] : memref<1x56x224x128xf32, #tpu.memory_space<vmem>>, vector<1x56x224x128xf32>
    %transpose3A = tpu.transpose %get3A_3, [0, 3, 1, 2] : vector<1x56x224x128xf32> -> vector<1x128x56x224xf32>
    %swap3A = arith.constant 0 : index
    %swap3A_4 = arith.constant 0 : index
    %swap3A_5 = arith.constant 0 : index
    %swap3A_6 = arith.constant 0 : index
    %swap3A_7 = vector.load %arg4[%swap3A, %swap3A_4, %swap3A_5, %swap3A_6] : memref<1x128x56x224xf32, #tpu.memory_space<vmem>>, vector<1x128x56x224xf32>
    tpu.vector_store %arg4[%swap3A, %swap3A_4, %swap3A_5, %swap3A_6], %transpose3A {strides = array<i32>} : memref<1x128x56x224xf32, #tpu.memory_space<vmem>>, vector<1x128x56x224xf32>,
    return
  }
  func.func @transform_0(%arg0: i32, %arg1: i32, %arg2: i32) -> (i32, i32, i32, i32) {
    %c0_i32 = arith.constant 0 : i32
    %c0_i32_0 = arith.constant 0 : i32
    return %arg0, %arg1, %c0_i32, %arg2 : i32, i32, i32, i32
  }
  func.func @transform_1(%arg0: i32, %arg1: i32, %arg2: i32) -> (i32, i32, i32, i32) {
    %c0_i32 = arith.constant 0 : i32
    %c0_i32_0 = arith.constant 0 : i32
    return %arg0, %arg2, %arg1, %c0_i32 : i32, i32, i32, i32
  }
}

</mosaic_0001>

<sc_bundles>
// kernel: kernel.4.cloned.1.call-start
scs
__scs_entry_jumppad:
0x0: {  	(pc) =	sbr.rel $0x88, $3  }
0x1: {  	(tag) =	ssettag $0x0;
	lr =	simm.s32 $0x1  }
0x2: {  	[smem:$0x3F9F] =	sst lr;
	_ =	strace $0xD0000000  }
0x3: {  	_ = 	snop  }
0x4: {  	_ = 	snop  }
0x5: {  	_ = 	snop  }
0x6: {  	_ = 	snop  }
0x7: {  	_ = 	snop  }
__scs_overlays_trampoline_lowered:
0x8: {  	[smem:$0x3FAE] =	sst s0  }
0x9: {  	[smem:$0x3FAF] =	sst s1  }
0xa: {  	[smem:$0x3FB0] =	sst s2  }
0xb: {  	[smem:$0x3FB1] =	sst s3  }
0xc: {  	[smem:$0x3FB2] =	sst s4  }
0xd: {  	[smem:$0x3FB3] =	sst s5  }
0xe: {  	[smem:$0x3FB4] =	sst s6  }
0xf: {  	[smem:$0x3FB5] =	sst s7  }
0x10: {  	[smem:$0x3FB6] =	sst s8  }
0x11: {  	[smem:$0x3FB7] =	sst s9;
	s0 =	simm.s32 @!p0 $0x0  }
0x12: {  	s1 =	sld [smem:$0x3F9D];
	s0 =	simm.s32 @p0 $0x1  }
0x13: {  	[smem:$0x3FB8] =	sst s0;
	s0 =	simm.s32 @!p1 $0x0  }
0x14: {  	s2 =	sld [smem:$0x3F9C];
	s0 =	simm.s32 @p1 $0x1  }
0x15: {  	[smem:$0x3FB9] =	sst s0;
	s0 =	simm.s32 @!p2 $0x0  }
0x16: {  	s3 =	sld [smem:$0x3FDB];
	s0 =	simm.s32 @p2 $0x1  }
0x17: {  	s4 =	simm.s32 $0x1BF5;
	[smem:$0x3FBB] =	sst s0  }
0x18: {  	s0 =	sld [smem:$0x3F9E];
	_ =	swait.ge [sflag:s4], $0x0  }
0x19: {  	s7 =	sld [smem:$0x3F9F]  }
0x1a: {  	s8 =	sadd.s32 $0xFFFFE003, lr  }
0x1b: {  	s9 =	sadd.s32 $0xFFFFFEF7, lr;
	s5 =	simm.s32 $0xFFFFFFFF;
	p2 =	slt.u32 s8, $0xFFFFF086  }
0x1c: {  	p1 =	slt.u32 s9, $0xF7A;
	s5 =	simm.s32 @!p2 $0x0  }
0x1d: {  	s5 =	simm.s32 @p1 $0x1;
	p0 =	seq.s32 s7, s2  }
0x1e: {  	s7 =	smul.u32 @!p0 $0xF7A, s2;
	p2 =	seq.s32 @!p0 s5, $0x0  }
0x1f: {  	s9 =	smul.u32 $0xF7A, s1;
	s8 =	simm.s32 @!p0 $0x1BF5;
	p2 =	por !p2, p0  }
0x20: {  	[sflag:s8] =	ssyncset.s32 @!p0 $0xFFFFF086;
	s6 =	sadd.s32 @!p0 s3, s7;
	s7 =	simm.s32 @!p0 $0x108  }
0x21: {  	s3 =	sadd.s32 s3, s9;
	s6 =	sadd.s32 @!p0 $0x88, s6;
	s7 =	simm.s32 @p2 $0x1082  }
0x22: {  	[simem:s7], [sflag:s8] =	dma.local @!p0 [hbm:s6], $0xF7A  }
0x23: {  	s9 =	sor.u32 $0xD0000000, s2;
	s6 =	simm.s32 $0x108;
	_ =	swait.ge @!p0 [sflag:s8], $0x0  }
0x24: {  	s3 =	sadd.s32 $0x88, s3;
	s6 =	simm.s32 @!p1 $0x1082;
	[sflag:s4] =	ssyncset.s32 $0xFFFFF086  }
0x25: {  	[simem:s6], [sflag:s4] =	dma.local [hbm:s3], $0xF7A  }
0x26: {  	[smem:$0x3F9F] =	sst s1;
	(tag) =	ssettag s2;
	_ =	strace s9  }
0x27: {  	s1 =	sld [smem:$0x3FAF]  }
0x28: {  	s2 =	sld [smem:$0x3FB0]  }
0x29: {  	s4 =	sld [smem:$0x3FB2]  }
0x2a: {  	p0 =	seq.s32 s5, $0x0;
	s5 =	sld [smem:$0x3FB3]  }
0x2b: {  	s6 =	sld [smem:$0x3FB4]  }
0x2c: {  	s7 =	sld [smem:$0x3FB5]  }
0x2d: {  	s3 =	simm.s32 $0x108;
	s8 =	sld [smem:$0x3FB6]  }
0x2e: {  	s3 =	simm.s32 @!p0 $0x1082;
	s9 =	sld [smem:$0x3FB7]  }
0x2f: {  	lr =	sadd.s32 s0, s3;
	s0 =	sld [smem:$0x3FAE]  }
0x30: {  	s3 =	sld [smem:$0x3FB1]  }
0x31: {  	[smem:$0x3FBA] =	sst s10  }
0x32: {  	s10 =	sld [smem:$0x3FB8];
	_ =	sdelay $0x3  }
0x33: {  	p0 =	seq.s32 s10, $0x1;
	s10 =	sld [smem:$0x3FBA];
	_ =	sdelay $0x3  }
0x34: {  	[smem:$0x3FBA] =	sst s10  }
0x35: {  	s10 =	sld [smem:$0x3FB9];
	_ =	sdelay $0x3  }
0x36: {  	p1 =	seq.s32 s10, $0x1;
	s10 =	sld [smem:$0x3FBA];
	_ =	sdelay $0x3  }
0x37: {  	[smem:$0x3FBA] =	sst s10  }
0x38: {  	s10 =	sld [smem:$0x3FBB]  }
0x39: {  	_ = 	snop;
	(pc) =	sbr.ind lr, $3  }
0x3a: {  	_ = 	snop  }
0x3b: {  	_ = 	snop  }
0x3c: {  	p2 =	seq.s32 s10, $0x1;
	s10 =	sld [smem:$0x3FBA]  }
0x3d: {  	_ =	shalt  }
0x3e: {  	_ =	shalt  }
0x3f: {  	_ =	shalt  }
0x40: {  	_ =	shalt  }
0x41: {  	_ =	shalt  }
0x42: {  	_ =	shalt  }
0x43: {  	_ =	shalt  }
0x44: {  	_ =	shalt  }
0x45: {  	_ =	shalt  }
0x46: {  	_ =	shalt  }
0x47: {  	_ =	shalt  }
0x48: {  	_ =	shalt  }
0x49: {  	_ =	shalt  }
0x4a: {  	_ =	shalt  }
0x4b: {  	_ =	shalt  }
0x4c: {  	_ =	shalt  }
0x4d: {  	_ =	shalt  }
0x4e: {  	_ =	shalt  }
0x4f: {  	_ =	shalt  }
0x50: {  	_ =	shalt  }
0x51: {  	_ =	shalt  }
0x52: {  	_ =	shalt  }
0x53: {  	_ =	shalt  }
0x54: {  	_ =	shalt  }
0x55: {  	_ =	shalt  }
0x56: {  	_ =	shalt  }
0x57: {  	_ =	shalt  }
0x58: {  	_ =	shalt  }
0x59: {  	_ =	shalt  }
0x5a: {  	_ =	shalt  }
0x5b: {  	_ =	shalt  }
0x5c: {  	_ =	shalt  }
0x5d: {  	_ =	shalt  }
0x5e: {  	_ =	shalt  }
0x5f: {  	_ =	shalt  }
0x60: {  	_ =	shalt  }
0x61: {  	_ =	shalt  }
0x62: {  	_ =	shalt  }
0x63: {  	_ =	shalt  }
0x64: {  	_ =	shalt  }
0x65: {  	_ =	shalt  }
0x66: {  	_ =	shalt  }
0x67: {  	_ =	shalt  }
0x68: {  	_ =	shalt  }
0x69: {  	_ =	shalt  }
0x6a: {  	_ =	shalt  }
0x6b: {  	_ =	shalt  }
0x6c: {  	_ =	shalt  }
0x6d: {  	_ =	shalt  }
0x6e: {  	_ =	shalt  }
0x6f: {  	_ =	shalt  }
0x70: {  	_ =	shalt  }
0x71: {  	_ =	shalt  }
0x72: {  	_ =	shalt  }
0x73: {  	_ =	shalt  }
0x74: {  	_ =	shalt  }
0x75: {  	_ =	shalt  }
0x76: {  	_ =	shalt  }
0x77: {  	_ =	shalt  }
0x78: {  	_ =	shalt  }
0x79: {  	_ =	shalt  }
0x7a: {  	_ =	shalt  }
0x7b: {  	_ =	shalt  }
0x7c: {  	_ =	shalt  }
0x7d: {  	_ =	shalt  }
0x7e: {  	_ =	shalt  }
0x7f: {  	_ =	shalt  }
0x80: {  	_ =	shalt  }
0x81: {  	_ =	shalt  }
0x82: {  	_ =	shalt  }
0x83: {  	_ =	shalt  }
0x84: {  	_ =	shalt  }
0x85: {  	_ =	shalt  }
0x86: {  	_ =	shalt  }
0x87: {  	_ =	shalt  }
.Lfunc_end0:
.L_simem_size_0:
called_computation_lowered:
.L_overlay_start_0:
0x88: {  	s2 =	sld [smem:$0x3FD9]  }
0x89: {  	s3 =	sld [smem:$0x3FFE];
	_ =	sdelay $0x1  }
0x8a: {  	s1 =	srdreg.scid  }
0x8b: {  	s0 =	sand.u32 $0x1, s1  }
0x8c: {  	s17 =	sshll.u32 s0, $0xA;
	s2 =	sadd.s32 s3, s2  }
0x8d: {  	s2 =	sadd.s32 s2, s17  }
0x8e: {  	[smem:$0x3FC6] =	sst s2  }
0x8f: {  	_ = 	snop  }
0x90: {  	s2 =	sld [smem:$0x3FC9]  }
0x91: {  	s18 =	sld [smem:$0x3FD0];
	(tm) =	ssettm $0x1  }
0x92: {  	s4 =	sld [smem:$0x3FFB];
	_ =	sdelay $0x3  }
0x93: {  	_ =	strace s4  }
0x94: {  	s4 =	sld [smem:$0x3FFC];
	_ =	sdelay $0x3  }
0x95: {  	_ =	strace s4  }
0x96: {  	s4 =	sld [smem:$0x3FFD];
	_ =	sdelay $0x3  }
0x97: {  	_ =	strace s4  }
0x98: {  	_ =	strace $0x8FFFFFFF  }
0x99: {  	s19 =	sld [smem:$0x3FDB];
	_ =	sdelay $0x1  }
0x9a: {  	s5 =	simm.s32 $_scs_section_size  }
0x9b: {  	s6 =	simm.s32 $_size__tile_overlayer_lowered;
	s7 =	simm.s32 $_tile_overlayer_lowered  }
0x9c: {  	s22 =	simm.s32 $0x1BFF;
	s21 =	sshll.u32 s7, $0x1;
	s4 =	sadd.s32 s5, s19  }
0x9d: {  	s8 =	simm.s32 $0x0;
	s20 =	sshll.u32 s6, $0x1;
	s6 =	sadd.s32 s21, s4  }
0x9e: {  	[timem:s8], [sflag:s22] =	dma.local [hbm:s6], s20  }
0x9f: {  	_ =	swait.ge [sflag:s22], s20  }
0xa0: {  	s5 =	ssub.s32 $0x0, s20;
	[sflag:s22] =	ssyncset.done $0x0  }
0xa1: {  	[sflag:s22] =	ssyncadd.s32 s5;
	_ =	sdelay $0x1  }
0xa2: {  	s23 =	simm.s32 $0x1B8B  }
0xa3: {  	_ =	swait.ge [sflag:s23], $0x1  }
0xa4: {  	[sflag:s23] =	ssyncset.done $0x0  }
0xa5: {  	s25 =	simm.s32 $0x1B8E;
	s24 =	sld [smem:$0x3FFE];
	[sflag:s23] =	ssyncadd.s32 $0xFFFFFFFF  }
0xa6: {  	s26 =	simm.s32 $execute0_lowered;
	[smem:$0x3FD2] =	sst s25  }
0xa7: {  	s6 =	sshll.u32 s26, $0x1;
	_ =	strace $0x80000046;
	[dreg:$0x1] =	wrdreg $0xFFFFFFFF  }
0xa8: {  	s28 =	simm.s32 $_size_execute0_lowered;
	s4 =	sadd.s32 s4, s6;
	[dreg:$0x0] =	wrdreg $0x0  }
0xa9: {  	s6 =	sshll.u32 s28, $0x1;
	[dreg:$0x2] =	wrdreg s4  }
0xaa: {  	[dreg:$0x3] =	wrdreg s6  }
0xab: {  	[dreg:$0x4] =	wrdreg $0xC0  }
0xac: {  	_ =	task [dreg:s8], $0x5FFFF  }
0xad: {  	[dreg:$0x1] =	wrdreg $0xFFFFFFFF  }
0xae: {  	[dreg:$0x0] =	wrdreg $0x60  }
0xaf: {  	[dreg:$0x2] =	wrdreg s2  }
0xb0: {  	[dreg:$0x3] =	wrdreg s24  }
0xb1: {  	[dreg:$0x4] =	wrdreg s18  }
0xb2: {  	[dreg:$0x5] =	wrdreg $0x9  }
0xb3: {  	_ =	task.clear_ibuf [dreg:s8], $0x6FFFF;
	_ =	strace $0x90000046  }
0xb4: {  	s29 =	simm.s32 $0x9;
	_ =	strace $0x80000048  }
0xb5: {  	_ =	swait.ge [sflag:s29], $0x1  }
0xb6: {  	[sflag:s29] =	ssyncadd.s32 $0xFFFFFFFF  }
0xb7: {  	_ =	strace $0x90000048  }
0xb8: {  	_ =	sfence  }
0xb9: {  	s30 =	sld [smem:$0x0];
	_ =	sdelay $0x2  }
0xba: {  	s31 =	sshll.u32 s1, $0xD;
	s1 =	sshrl.u32 s1, $0x2  }
0xbb: {  	s3 =	sand.u32 $0x4000, s31;
	s1 =	sadd.s32 s1, s30  }
0xbc: {  	s0 =	sor.u32 s3, s0;
	s1 =	sshll.u32 s1, $0x11  }
0xbd: {  	s0 =	sor.u32 s1, s0  }
0xbe: {  	s0 =	sadd.s32 $0x8F2B, s0  }
0xbf: {  	[sflag:s0] =	ssyncadd.remote.s32 $0x1  }
0xc0: {  	_ =	sfence.sel $0xFFFF  }
0xc1: {  	[dreg:$0x0] =	wrdreg $0xFFFFFFFF;
	(pc) =	sbr.abs _section_cstart, $3  }
0xc2: {  	[dreg:$0x1] =	wrdreg $0xFFFFFFFF  }
0xc3: {  	_ =	task.clear_ibuf [dreg:s8], $0x2FFFF;
	_ =	strace $0x9FFFFFFF  }
0xc4: {  	(tm) =	ssettm $0x7FFFFFFF  }
0xc5: {  	_ =	shalt  }
tec
execute0_lowered:
.L_overlay_start_1:
0x0: {  	(tag) =	ssettag $0x1  }
0x1: {  	s4 =	rddreg [dreg:$0x0];
	s1 =	srdreg.scid  }
0x2: {  	s0 =	stileid.u32;
	s3 =	rddreg [dreg:$0x1]  }
0x3: {  	s31 =	rddreg [dreg:$0x2];
	s1 =	sand.u32 $0x1, s1;
	s2 =	sshll.u32 s0, $0x1  }
0x4: {  	s6 =	simm.s32 $0xFFFFFF40;
	s7 =	simm.s32 $0x150000;
	s2 =	sor.u32 s1, s2  }
0x5: {  	p0 =	sgt.u32 s0, $0x7;
	s29 =	sadd.s32 $0x400, s3;
	s5 =	smul.u32 $0xC, s2  }
0x6: {  	s3 =	simm.s32 $0xA80000;
	[dreg:$0x5] =	wrdreg s1;
	s6 =	simm.s32 @!p0 $0x0  }
0x7: {  	s3 =	simm.s32 @!p0 $0x0;
	s7 =	simm.s32 @!p0 $0x0;
	s22 =	sadd.s32 s6, s5  }
0x8: {  	s2 =	simm.s32 $0x0;
	s5 =	simm.s32 $0xA80000;
	s6 =	smul.u32 $0xE000, s22  }
0x9: {  	s23 =	sadd.s32 s4, s7;
	[smem:$0x7FF] =	sst s2;
	s5 =	simm.s32 @!p0 $0x7  }
0xa: {  	_ =	strace $0x80000047;
	p1 =	seq.s32 s22, $0x0;
	s5 =	sadd.s32 s5, s6  }
0xb: {  	s30 =	sadd.s32 s3, s6;
	s6 =	simm.s32 $0x1;
	s5 =	sshrl.u32 s5, $0x3  }
0xc: {  	s24 =	sadd.s32 $0xE000, s30;
	s25 =	sshrl.u32 s30, $0x3;
	s3 =	sadd.s32 s29, s5  }
0xd: {  	s10 =	sshrl.u32 s24, $0x3;
	s5 =	sadd.s32 s31, s25;
	s3 =	smov.u32 @p1 s23  }
0xe: {  	[tilespmem:s2], [sflag:$0x1] =	stream.linear.gather [hbm4b:s3+s2], $0xE000, $0x38;
	[tilespmem:$0x1C000] =	vst v63  }
0xf: {  	s4 =	sadd.s32 s29, s10;
	[dreg:$0x4] =	wrdreg s5;
	s5 =	simm.s32 $0xE000  }
0x10: {  	[tilespmem:s5], [sflag:$0x2] =	stream.linear.gather [hbm4b:s4+s2], $0xE000, $0x38;
	[tilespmem:$0x1C000] =	vst v63  }
0x11: {  	_ =	swait.ge [sflag:s6], $0xE000  }
0x12: {  	[sflag:s6] =	ssyncset.done $0x0  }
0x13: {  	s7 =	simm.s32 $0x3;
	s8 =	rddreg [dreg:$0x4];
	[sflag:s6] =	ssyncadd.s32 $0xFFFF2000  }
0x14: {  	[hbm4b:s8+s2] =	stream.linear.scatter [tilespmem:s2], [sflag:$0x3], $0xE000, $0x38;
	[tilespmem:$0x1C000] =	vst v63  }
0x15: {  	s26 =	sadd.s32 $0x1C000, s30;
	_ =	swait.ge [sflag:s7], $0xE000  }
0x16: {  	s13 =	sshrl.u32 s26, $0x3;
	[sflag:s7] =	ssyncset.done $0x0  }
0x17: {  	s9 =	simm.s32 $0x2;
	s8 =	sadd.s32 s29, s13;
	[sflag:s7] =	ssyncadd.s32 $0xFFFF2000  }
0x18: {  	[tilespmem:s2], [sflag:$0x1] =	stream.linear.gather [hbm4b:s8+s2], $0xE000, $0x38;
	[tilespmem:$0x1C000] =	vst v63  }
0x19: {  	_ =	swait.ge [sflag:s9], $0xE000  }
0x1a: {  	[sflag:s9] =	ssyncset.done $0x0  }
0x1b: {  	s11 =	sadd.s32 s31, s10;
	s10 =	simm.s32 $0x4;
	[sflag:s9] =	ssyncadd.s32 $0xFFFF2000  }
0x1c: {  	[hbm4b:s11+s2] =	stream.linear.scatter [tilespmem:s5], [sflag:$0x4], $0xE000, $0x38;
	[tilespmem:$0x1C000] =	vst v63  }
0x1d: {  	s12 =	sadd.s32 $0x2A000, s30;
	_ =	swait.ge [sflag:s10], $0xE000  }
0x1e: {  	s15 =	sshrl.u32 s12, $0x3;
	[sflag:s10] =	ssyncset.done $0x0  }
0x1f: {  	s12 =	sadd.s32 s29, s15;
	[sflag:s10] =	ssyncadd.s32 $0xFFFF2000  }
0x20: {  	[tilespmem:s5], [sflag:$0x2] =	stream.linear.gather [hbm4b:s12+s2], $0xE000, $0x38;
	[tilespmem:$0x1C000] =	vst v63  }
0x21: {  	_ =	swait.ge [sflag:s6], $0xE000  }
0x22: {  	[sflag:s6] =	ssyncset.done $0x0  }
0x23: {  	s14 =	sadd.s32 $0x38000, s30;
	s13 =	sadd.s32 s31, s13;
	[sflag:s6] =	ssyncadd.s32 $0xFFFF2000  }
0x24: {  	[hbm4b:s13+s2] =	stream.linear.scatter [tilespmem:s2], [sflag:$0x3], $0xE000, $0x38;
	[tilespmem:$0x1C000] =	vst v63  }
0x25: {  	s17 =	sshrl.u32 s14, $0x3;
	_ =	swait.ge [sflag:s7], $0xE000  }
0x26: {  	p0 =	seq.s32 s22, $0xFFFFFFFC;
	s14 =	sadd.s32 s29, s17;
	[sflag:s7] =	ssyncset.done $0x0  }
0x27: {  	s14 =	smov.u32 @p0 s23;
	[sflag:s7] =	ssyncadd.s32 $0xFFFF2000  }
0x28: {  	[tilespmem:s2], [sflag:$0x1] =	stream.linear.gather [hbm4b:s14+s2], $0xE000, $0x38;
	[tilespmem:$0x1C000] =	vst v63  }
0x29: {  	_ =	swait.ge [sflag:s9], $0xE000  }
0x2a: {  	[sflag:s9] =	ssyncset.done $0x0  }
0x2b: {  	s15 =	sadd.s32 s31, s15;
	[sflag:s9] =	ssyncadd.s32 $0xFFFF2000  }
0x2c: {  	[hbm4b:s15+s2] =	stream.linear.scatter [tilespmem:s5], [sflag:$0x4], $0xE000, $0x38;
	[tilespmem:$0x1C000] =	vst v63  }
0x2d: {  	s16 =	sadd.s32 $0x46000, s30;
	_ =	swait.ge [sflag:s10], $0xE000  }
0x2e: {  	s19 =	sshrl.u32 s16, $0x3;
	[sflag:s10] =	ssyncset.done $0x0  }
0x2f: {  	s16 =	sadd.s32 s29, s19;
	[sflag:s10] =	ssyncadd.s32 $0xFFFF2000  }
0x30: {  	[tilespmem:s5], [sflag:$0x2] =	stream.linear.gather [hbm4b:s16+s2], $0xE000, $0x38;
	[tilespmem:$0x1C000] =	vst v63  }
0x31: {  	_ =	swait.ge [sflag:s6], $0xE000  }
0x32: {  	[sflag:s6] =	ssyncset.done $0x0  }
0x33: {  	s17 =	sadd.s32 s31, s17;
	[sflag:s6] =	ssyncadd.s32 $0xFFFF2000  }
0x34: {  	[hbm4b:s17+s2] =	stream.linear.scatter [tilespmem:s2], [sflag:$0x3], $0xE000, $0x38;
	[tilespmem:$0x1C000] =	vst v63  }
0x35: {  	s18 =	sadd.s32 $0x54000, s30;
	_ =	swait.ge [sflag:s7], $0xE000  }
0x36: {  	s21 =	sshrl.u32 s18, $0x3;
	[sflag:s7] =	ssyncset.done $0x0  }
0x37: {  	s18 =	sadd.s32 s29, s21;
	[sflag:s7] =	ssyncadd.s32 $0xFFFF2000  }
0x38: {  	[tilespmem:s2], [sflag:$0x1] =	stream.linear.gather [hbm4b:s18+s2], $0xE000, $0x38;
	[tilespmem:$0x1C000] =	vst v63  }
0x39: {  	_ =	swait.ge [sflag:s9], $0xE000  }
0x3a: {  	[sflag:s9] =	ssyncset.done $0x0  }
0x3b: {  	s19 =	sadd.s32 s31, s19;
	[sflag:s9] =	ssyncadd.s32 $0xFFFF2000  }
0x3c: {  	[hbm4b:s19+s2] =	stream.linear.scatter [tilespmem:s5], [sflag:$0x4], $0xE000, $0x38;
	[tilespmem:$0x1C000] =	vst v63  }
0x3d: {  	s20 =	sadd.s32 $0x62000, s30;
	_ =	swait.ge [sflag:s10], $0xE000  }
0x3e: {  	s24 =	sshrl.u32 s20, $0x3;
	[sflag:s10] =	ssyncset.done $0x0  }
0x3f: {  	s20 =	sadd.s32 s29, s24;
	[sflag:s10] =	ssyncadd.s32 $0xFFFF2000  }
0x40: {  	[tilespmem:s5], [sflag:$0x2] =	stream.linear.gather [hbm4b:s20+s2], $0xE000, $0x38;
	[tilespmem:$0x1C000] =	vst v63  }
0x41: {  	_ =	swait.ge [sflag:s6], $0xE000  }
0x42: {  	[sflag:s6] =	ssyncset.done $0x0  }
0x43: {  	s25 =	sadd.s32 $0x70000, s30;
	s21 =	sadd.s32 s31, s21;
	[sflag:s6] =	ssyncadd.s32 $0xFFFF2000  }
0x44: {  	[hbm4b:s21+s2] =	stream.linear.scatter [tilespmem:s2], [sflag:$0x3], $0xE000, $0x38;
	[tilespmem:$0x1C000] =	vst v63  }
0x45: {  	s25 =	sshrl.u32 s25, $0x3;
	_ =	swait.ge [sflag:s7], $0xE000  }
0x46: {  	p0 =	seq.s32 s22, $0xFFFFFFF8;
	s22 =	sadd.s32 s29, s25;
	[sflag:s7] =	ssyncset.done $0x0  }
0x47: {  	s22 =	smov.u32 @p0 s23;
	[sflag:s7] =	ssyncadd.s32 $0xFFFF2000  }
0x48: {  	[tilespmem:s2], [sflag:$0x1] =	stream.linear.gather [hbm4b:s22+s2], $0xE000, $0x38;
	[tilespmem:$0x1C000] =	vst v63  }
0x49: {  	_ =	swait.ge [sflag:s9], $0xE000  }
0x4a: {  	[sflag:s9] =	ssyncset.done $0x0  }
0x4b: {  	s23 =	sadd.s32 s31, s24;
	[sflag:s9] =	ssyncadd.s32 $0xFFFF2000  }
0x4c: {  	[hbm4b:s23+s2] =	stream.linear.scatter [tilespmem:s5], [sflag:$0x4], $0xE000, $0x38;
	[tilespmem:$0x1C000] =	vst v63  }
0x4d: {  	s0 =	sadd.s32 $0x7E000, s30;
	_ =	swait.ge [sflag:s10], $0xE000  }
0x4e: {  	s28 =	sshrl.u32 s0, $0x3;
	[sflag:s10] =	ssyncset.done $0x0  }
0x4f: {  	s24 =	sadd.s32 s29, s28;
	[sflag:s10] =	ssyncadd.s32 $0xFFFF2000  }
0x50: {  	[tilespmem:s5], [sflag:$0x2] =	stream.linear.gather [hbm4b:s24+s2], $0xE000, $0x38;
	[tilespmem:$0x1C000] =	vst v63  }
0x51: {  	_ =	swait.ge [sflag:s6], $0xE000  }
0x52: {  	[sflag:s6] =	ssyncset.done $0x0  }
0x53: {  	s25 =	sadd.s32 s31, s25;
	[sflag:s6] =	ssyncadd.s32 $0xFFFF2000  }
0x54: {  	[hbm4b:s25+s2] =	stream.linear.scatter [tilespmem:s2], [sflag:$0x3], $0xE000, $0x38;
	[tilespmem:$0x1C000] =	vst v63  }
0x55: {  	s26 =	sadd.s32 $0x8C000, s30;
	_ =	swait.ge [sflag:s7], $0xE000  }
0x56: {  	s1 =	sshrl.u32 s26, $0x3;
	[sflag:s7] =	ssyncset.done $0x0  }
0x57: {  	s26 =	sadd.s32 s29, s1;
	[sflag:s7] =	ssyncadd.s32 $0xFFFF2000  }
0x58: {  	[tilespmem:s2], [sflag:$0x1] =	stream.linear.gather [hbm4b:s26+s2], $0xE000, $0x38;
	[tilespmem:$0x1C000] =	vst v63  }
0x59: {  	_ =	swait.ge [sflag:s9], $0xE000  }
0x5a: {  	[sflag:s9] =	ssyncset.done $0x0  }
0x5b: {  	s28 =	sadd.s32 s31, s28;
	[sflag:s9] =	ssyncadd.s32 $0xFFFF2000  }
0x5c: {  	[hbm4b:s28+s2] =	stream.linear.scatter [tilespmem:s5], [sflag:$0x4], $0xE000, $0x38;
	[tilespmem:$0x1C000] =	vst v63  }
0x5d: {  	s30 =	sadd.s32 $0x9A000, s30;
	_ =	swait.ge [sflag:s10], $0xE000  }
0x5e: {  	s0 =	sshrl.u32 s30, $0x3;
	[sflag:s10] =	ssyncset.done $0x0  }
0x5f: {  	s29 =	sadd.s32 s29, s0;
	[sflag:s10] =	ssyncadd.s32 $0xFFFF2000  }
0x60: {  	[tilespmem:s5], [sflag:$0x2] =	stream.linear.gather [hbm4b:s29+s2], $0xE000, $0x38;
	[tilespmem:$0x1C000] =	vst v63  }
0x61: {  	_ =	swait.ge [sflag:s6], $0xE000  }
0x62: {  	[sflag:s6] =	ssyncset.done $0x0  }
0x63: {  	s30 =	sadd.s32 s31, s1;
	[sflag:s6] =	ssyncadd.s32 $0xFFFF2000  }
0x64: {  	[hbm4b:s30+s2] =	stream.linear.scatter [tilespmem:s2], [sflag:$0x3], $0xE000, $0x38;
	[tilespmem:$0x1C000] =	vst v63  }
0x65: {  	_ =	swait.ge [sflag:s9], $0xE000  }
0x66: {  	[sflag:s9] =	ssyncset.done $0x0;
	s1 =	rddreg [dreg:$0x5]  }
0x67: {  	s31 =	sadd.s32 s31, s0;
	s0 =	ssub.s32 $0x2, s1;
	[sflag:s9] =	ssyncadd.s32 $0xFFFF2000  }
0x68: {  	[hbm4b:s31+s2] =	stream.linear.scatter [tilespmem:s5], [sflag:$0x4], $0xE000, $0x38;
	[tilespmem:$0x1C000] =	vst v63  }
0x69: {  	s1 =	sshrl.u32 s0, $0x1  }
0x6a: {  	s0 =	ssub.s32 s0, s1  }
0x6b: {  	s0 =	smax.u32 s0, $0x1  }
0x6c: {  	p0 =	sne.s32 s0, $0x1  }
.Ltmp0:
0x6d: {  	_ =	swait.ge [sflag:s7], $0xE000;
	(pc) =	sbr.rel @!p0 .LBB2_2-.Ltmp0, $4  }
0x6e: {  	[sflag:s7] =	ssyncset.done $0x0  }
0x6f: {  	[sflag:s7] =	ssyncadd.s32 $0xFFFF2000  }
0x70: {  	_ =	swait.ge [sflag:s10], $0xE000  }
0x71: {  	s1 =	sadd.s32 $0xFFFFFFFF, s0;
	[sflag:s10] =	ssyncset.done $0x0  }
.LBB2_1:
0x72: {  	[sflag:s10] =	ssyncadd.s32 $0xFFFF2000  }
0x73: {  	[tilespmem:s2], [sflag:$0x1] =	stream.linear.gather [hbm4b:s3+s2], $0xE000, $0x38;
	[tilespmem:$0x1C000] =	vst v63  }
0x74: {  	_ = 	snop  }
0x75: {  	[tilespmem:s5], [sflag:$0x2] =	stream.linear.gather [hbm4b:s4+s2], $0xE000, $0x38;
	[tilespmem:$0x1C000] =	vst v63  }
0x76: {  	_ =	swait.ge [sflag:s6], $0xE000  }
0x77: {  	[sflag:s6] =	ssyncset.done $0x0  }
0x78: {  	s0 =	rddreg [dreg:$0x4];
	[sflag:s6] =	ssyncadd.s32 $0xFFFF2000  }
0x79: {  	[hbm4b:s0+s2] =	stream.linear.scatter [tilespmem:s2], [sflag:$0x3], $0xE000, $0x38;
	[tilespmem:$0x1C000] =	vst v63  }
0x7a: {  	_ =	swait.ge [sflag:s7], $0xE000  }
0x7b: {  	[sflag:s7] =	ssyncset.done $0x0  }
0x7c: {  	[sflag:s7] =	ssyncadd.s32 $0xFFFF2000  }
0x7d: {  	[tilespmem:s2], [sflag:$0x1] =	stream.linear.gather [hbm4b:s8+s2], $0xE000, $0x38;
	[tilespmem:$0x1C000] =	vst v63  }
0x7e: {  	_ =	swait.ge [sflag:s9], $0xE000  }
0x7f: {  	[sflag:s9] =	ssyncset.done $0x0  }
0x80: {  	[sflag:s9] =	ssyncadd.s32 $0xFFFF2000  }
0x81: {  	[hbm4b:s11+s2] =	stream.linear.scatter [tilespmem:s5], [sflag:$0x4], $0xE000, $0x38;
	[tilespmem:$0x1C000] =	vst v63  }
0x82: {  	_ =	swait.ge [sflag:s10], $0xE000  }
0x83: {  	[sflag:s10] =	ssyncset.done $0x0  }
0x84: {  	[sflag:s10] =	ssyncadd.s32 $0xFFFF2000  }
0x85: {  	[tilespmem:s5], [sflag:$0x2] =	stream.linear.gather [hbm4b:s12+s2], $0xE000, $0x38;
	[tilespmem:$0x1C000] =	vst v63  }
0x86: {  	_ =	swait.ge [sflag:s6], $0xE000  }
0x87: {  	[sflag:s6] =	ssyncset.done $0x0  }
0x88: {  	[sflag:s6] =	ssyncadd.s32 $0xFFFF2000  }
0x89: {  	[hbm4b:s13+s2] =	stream.linear.scatter [tilespmem:s2], [sflag:$0x3], $0xE000, $0x38;
	[tilespmem:$0x1C000] =	vst v63  }
0x8a: {  	_ =	swait.ge [sflag:s7], $0xE000  }
0x8b: {  	[sflag:s7] =	ssyncset.done $0x0  }
0x8c: {  	[sflag:s7] =	ssyncadd.s32 $0xFFFF2000  }
0x8d: {  	[tilespmem:s2], [sflag:$0x1] =	stream.linear.gather [hbm4b:s14+s2], $0xE000, $0x38;
	[tilespmem:$0x1C000] =	vst v63  }
0x8e: {  	_ =	swait.ge [sflag:s9], $0xE000  }
0x8f: {  	[sflag:s9] =	ssyncset.done $0x0  }
0x90: {  	[sflag:s9] =	ssyncadd.s32 $0xFFFF2000  }
0x91: {  	[hbm4b:s15+s2] =	stream.linear.scatter [tilespmem:s5], [sflag:$0x4], $0xE000, $0x38;
	[tilespmem:$0x1C000] =	vst v63  }
0x92: {  	_ =	swait.ge [sflag:s10], $0xE000  }
0x93: {  	[sflag:s10] =	ssyncset.done $0x0  }
0x94: {  	[sflag:s10] =	ssyncadd.s32 $0xFFFF2000  }
0x95: {  	[tilespmem:s5], [sflag:$0x2] =	stream.linear.gather [hbm4b:s16+s2], $0xE000, $0x38;
	[tilespmem:$0x1C000] =	vst v63  }
0x96: {  	_ =	swait.ge [sflag:s6], $0xE000  }
0x97: {  	[sflag:s6] =	ssyncset.done $0x0  }
0x98: {  	[sflag:s6] =	ssyncadd.s32 $0xFFFF2000  }
0x99: {  	[hbm4b:s17+s2] =	stream.linear.scatter [tilespmem:s2], [sflag:$0x3], $0xE000, $0x38;
	[tilespmem:$0x1C000] =	vst v63  }
0x9a: {  	_ =	swait.ge [sflag:s7], $0xE000  }
0x9b: {  	[sflag:s7] =	ssyncset.done $0x0  }
0x9c: {  	[sflag:s7] =	ssyncadd.s32 $0xFFFF2000  }
0x9d: {  	[tilespmem:s2], [sflag:$0x1] =	stream.linear.gather [hbm4b:s18+s2], $0xE000, $0x38;
	[tilespmem:$0x1C000] =	vst v63  }
0x9e: {  	_ =	swait.ge [sflag:s9], $0xE000  }
0x9f: {  	[sflag:s9] =	ssyncset.done $0x0  }
0xa0: {  	[sflag:s9] =	ssyncadd.s32 $0xFFFF2000  }
0xa1: {  	[hbm4b:s19+s2] =	stream.linear.scatter [tilespmem:s5], [sflag:$0x4], $0xE000, $0x38;
	[tilespmem:$0x1C000] =	vst v63  }
0xa2: {  	_ =	swait.ge [sflag:s10], $0xE000  }
0xa3: {  	[sflag:s10] =	ssyncset.done $0x0  }
0xa4: {  	[sflag:s10] =	ssyncadd.s32 $0xFFFF2000  }
0xa5: {  	[tilespmem:s5], [sflag:$0x2] =	stream.linear.gather [hbm4b:s20+s2], $0xE000, $0x38;
	[tilespmem:$0x1C000] =	vst v63  }
0xa6: {  	_ =	swait.ge [sflag:s6], $0xE000  }
0xa7: {  	[sflag:s6] =	ssyncset.done $0x0  }
0xa8: {  	[sflag:s6] =	ssyncadd.s32 $0xFFFF2000  }
0xa9: {  	[hbm4b:s21+s2] =	stream.linear.scatter [tilespmem:s2], [sflag:$0x3], $0xE000, $0x38;
	[tilespmem:$0x1C000] =	vst v63  }
0xaa: {  	_ =	swait.ge [sflag:s7], $0xE000  }
0xab: {  	[sflag:s7] =	ssyncset.done $0x0  }
0xac: {  	[sflag:s7] =	ssyncadd.s32 $0xFFFF2000  }
0xad: {  	[tilespmem:s2], [sflag:$0x1] =	stream.linear.gather [hbm4b:s22+s2], $0xE000, $0x38;
	[tilespmem:$0x1C000] =	vst v63  }
0xae: {  	_ =	swait.ge [sflag:s9], $0xE000  }
0xaf: {  	[sflag:s9] =	ssyncset.done $0x0  }
0xb0: {  	[sflag:s9] =	ssyncadd.s32 $0xFFFF2000  }
0xb1: {  	[hbm4b:s23+s2] =	stream.linear.scatter [tilespmem:s5], [sflag:$0x4], $0xE000, $0x38;
	[tilespmem:$0x1C000] =	vst v63  }
0xb2: {  	_ =	swait.ge [sflag:s10], $0xE000  }
0xb3: {  	[sflag:s10] =	ssyncset.done $0x0  }
0xb4: {  	[sflag:s10] =	ssyncadd.s32 $0xFFFF2000  }
0xb5: {  	[tilespmem:s5], [sflag:$0x2] =	stream.linear.gather [hbm4b:s24+s2], $0xE000, $0x38;
	[tilespmem:$0x1C000] =	vst v63  }
0xb6: {  	_ =	swait.ge [sflag:s6], $0xE000  }
0xb7: {  	[sflag:s6] =	ssyncset.done $0x0  }
0xb8: {  	[sflag:s6] =	ssyncadd.s32 $0xFFFF2000  }
0xb9: {  	[hbm4b:s25+s2] =	stream.linear.scatter [tilespmem:s2], [sflag:$0x3], $0xE000, $0x38;
	[tilespmem:$0x1C000] =	vst v63  }
0xba: {  	_ =	swait.ge [sflag:s7], $0xE000  }
0xbb: {  	[sflag:s7] =	ssyncset.done $0x0  }
0xbc: {  	[sflag:s7] =	ssyncadd.s32 $0xFFFF2000  }
0xbd: {  	[tilespmem:s2], [sflag:$0x1] =	stream.linear.gather [hbm4b:s26+s2], $0xE000, $0x38;
	[tilespmem:$0x1C000] =	vst v63  }
0xbe: {  	_ =	swait.ge [sflag:s9], $0xE000  }
0xbf: {  	[sflag:s9] =	ssyncset.done $0x0  }
0xc0: {  	[sflag:s9] =	ssyncadd.s32 $0xFFFF2000  }
0xc1: {  	[hbm4b:s28+s2] =	stream.linear.scatter [tilespmem:s5], [sflag:$0x4], $0xE000, $0x38;
	[tilespmem:$0x1C000] =	vst v63  }
0xc2: {  	_ =	swait.ge [sflag:s10], $0xE000  }
0xc3: {  	[sflag:s10] =	ssyncset.done $0x0  }
0xc4: {  	[sflag:s10] =	ssyncadd.s32 $0xFFFF2000  }
0xc5: {  	[tilespmem:s5], [sflag:$0x2] =	stream.linear.gather [hbm4b:s29+s2], $0xE000, $0x38;
	[tilespmem:$0x1C000] =	vst v63  }
0xc6: {  	_ =	swait.ge [sflag:s6], $0xE000  }
0xc7: {  	[sflag:s6] =	ssyncset.done $0x0  }
0xc8: {  	[sflag:s6] =	ssyncadd.s32 $0xFFFF2000  }
0xc9: {  	[hbm4b:s30+s2] =	stream.linear.scatter [tilespmem:s2], [sflag:$0x3], $0xE000, $0x38;
	[tilespmem:$0x1C000] =	vst v63  }
0xca: {  	_ =	swait.ge [sflag:s9], $0xE000  }
0xcb: {  	[sflag:s9] =	ssyncset.done $0x0  }
0xcc: {  	p0 =	sne.s32 s1, $0x1;
	[sflag:s9] =	ssyncadd.s32 $0xFFFF2000  }
0xcd: {  	[hbm4b:s31+s2] =	stream.linear.scatter [tilespmem:s5], [sflag:$0x4], $0xE000, $0x38;
	[tilespmem:$0x1C000] =	vst v63  }
.Ltmp1:
0xce: {  	_ =	swait.ge [sflag:s7], $0xE000;
	(pc) =	sbr.rel @p0 .LBB2_1-.Ltmp1, $4  }
0xcf: {  	[sflag:s7] =	ssyncset.done $0x0  }
0xd0: {  	[sflag:s7] =	ssyncadd.s32 $0xFFFF2000  }
0xd1: {  	_ =	swait.ge [sflag:s10], $0xE000  }
0xd2: {  	s1 =	sadd.s32 $0xFFFFFFFF, s1;
	[sflag:s10] =	ssyncset.done $0x0  }
.LBB2_2:
0xd3: {  	[sflag:s10] =	ssyncadd.s32 $0xFFFF2000  }
0xd4: {  	_ =	sfence.sel $0x180000  }
0xd5: {  	[bflag:$0x0] =	sbarrier.arrive $0xFFFF  }
0xd6: {  	_ =	strace $0x90000047  }
0xd7: {  	s0 =	stileid.u32;
	[bflag:$0x2] =	sbarrier.arrive $0xFFFF  }
0xd8: {  	p0 =	sne.s32 s0, $0x0;
	s0 =	rddreg [dreg:$0x3]  }
0xd9: {  	s0 =	sadd.s32 @!p0 $0x100000, s0  }
0xda: {  	[sflag:s0] =	ssyncadd.tile.s32 @!p0 $0x1;
	_ =	shalt  }
.Lfunc_end2:
_tile_overlayer_lowered:
.L_overlay_start_2:
0xdb: {  	(tag) =	ssettag $0x2  }
0xdc: {  	s0 =	rddreg [dreg:$0x0];
	s2 =	stileid.u32  }
0xdd: {  	s1 =	rddreg [dreg:$0x1];
	p0 =	sne.s32 s2, $0x0  }
0xde: {  	s3 =	rddreg [dreg:$0x2];
	[bflag:$0x3] =	sbarrier.arrive $0xFFFF;
	s2 =	simm.s32 @!p0 $0x1C05  }
0xdf: {  	[timem:s3], [sflag:s2] =	dma.local @!p0 [hbm:s0], s1  }
0xe0: {  	s0 =	simm.s32 @!p0 $0x5  }
0xe1: {  	_ =	swait.ge @!p0 [sflag:s0], s1  }
0xe2: {  	s1 =	ssub.s32 @!p0 $0x0, s1;
	[sflag:s0] =	ssyncset.done @!p0 $0x0  }
0xe3: {  	[sflag:s0] =	ssyncadd.s32 @!p0 s1  }
0xe4: {  	[bflag:$0x3] =	sbarrier.arrive $0xFFFF  }
0xe5: {  	_ =	shalt  }

</sc_bundles>
